<compile_context>
chip_gen: v7x
topology: tpu7x:2x2x1
jax: 0.10.2.dev20260603
libtpu: 0.0.44.dev20260713+nightly
codegen_flags: <defaults>
</compile_context>

<pallas_src>
import functools

import jax
import jax.numpy as jnp
from jax import lax
from jax.experimental import pallas as pl
from jax.experimental.pallas import tpu as pltpu
from jax.experimental.pallas import tpu_sc as plsc

N = 10000
E = 320000
D_NODE = 128
D_EDGE = 16
H = 4

NUM_CORES = 2
NUM_SUBCORES = 16
NUM_TILES = NUM_CORES * NUM_SUBCORES
EDGES_PER_TILE = E // NUM_TILES
HALF_N = N // 2

_sc_mesh = plsc.VectorSubcoreMesh(core_axis_name="c", subcore_axis_name="s")
_sc_params = pltpu.CompilerParams(use_tc_tiling_on_sc=False,
                                  needs_layout_passes=False)

_INV_SQRT2 = 0.7071067811865476


def _gelu_exact(x):
    return x * 0.5 * (1.0 + lax.erf(x * _INV_SQRT2))




@functools.partial(
    pl.kernel,
    out_type=(
        jax.ShapeDtypeStruct((H, N), jnp.float32),
        jax.ShapeDtypeStruct((H, N), jnp.float32),
    ),
    mesh=_sc_mesh,
    compiler_params=_sc_params,
    scratch_types=[
        pltpu.VMEM((EDGES_PER_TILE,), jnp.int32),
        pltpu.VMEM((EDGES_PER_TILE,), jnp.float32),
        pltpu.VMEM_SHARED((H, N), jnp.float32),
    ],
)
def _sc_scatter(ei_hbm, attnt_hbm, zeros_hbm, out0_hbm, out1_hbm,
                idx_v, vals_v, acc_sh):
    c = lax.axis_index("c")
    s = lax.axis_index("s")
    wid = c * NUM_SUBCORES + s

    @pl.when(s < 2 * H)
    def _():
        h = s // 2
        sl = pl.ds((s % 2) * HALF_N, HALF_N)
        pltpu.sync_copy(zeros_hbm.at[h].at[sl], acc_sh.at[h].at[sl])

    base = wid * EDGES_PER_TILE
    pltpu.sync_copy(ei_hbm.at[1].at[pl.ds(base, EDGES_PER_TILE)], idx_v)

    plsc.subcore_barrier()

    for h in range(H):
        pltpu.sync_copy(attnt_hbm.at[h].at[pl.ds(base, EDGES_PER_TILE)],
                        vals_v)
        pltpu.sync_copy(vals_v, acc_sh.at[h].at[idx_v], add=True)

    plsc.subcore_barrier()

    @pl.when(s < 2 * H)
    def _():
        h = s // 2
        sl = pl.ds((s % 2) * HALF_N, HALF_N)

        @pl.when(c == 0)
        def _():
            pltpu.sync_copy(acc_sh.at[h].at[sl], out0_hbm.at[h].at[sl])

        @pl.when(c == 1)
        def _():
            pltpu.sync_copy(acc_sh.at[h].at[sl], out1_hbm.at[h].at[sl])


def _node_mlp_body(p0_ref, p1_ref, nf_ref, wn1a_ref, wn1bt_ref, be1t_ref,
                   wn2_ref, bn2_ref, out_ref):
    napt = p0_ref[...] + p1_ref[...]
    hm = jnp.max(napt, axis=1, keepdims=True) + 1e-10
    napnt = napt / hm
    h1t = lax.dot_general(wn1a_ref[...], nf_ref[...],
                          (((0,), (1,)), ((), ())))
    for hh in range(H):
        h1t = h1t + wn1bt_ref[:, hh:hh + 1] * napnt[hh:hh + 1, :]
    h1t = h1t + be1t_ref[...]
    h1t = _gelu_exact(h1t)
    logits = jnp.sum(h1t * wn2_ref[...], axis=0, keepdims=True) + bn2_ref[...]
    out_ref[...] = jax.nn.sigmoid(logits)[0]


_node_mlp = pl.pallas_call(
    _node_mlp_body,
    out_shape=jax.ShapeDtypeStruct((N,), jnp.float32),
)




@functools.partial(
    pl.kernel,
    out_type=(
        jax.ShapeDtypeStruct((E,), jnp.float32),
        jax.ShapeDtypeStruct((E,), jnp.float32),
    ),
    mesh=_sc_mesh,
    compiler_params=_sc_params,
    scratch_types=[
        pltpu.VMEM_SHARED((N,), jnp.float32),
        pltpu.VMEM((EDGES_PER_TILE,), jnp.int32),
        pltpu.VMEM((EDGES_PER_TILE,), jnp.int32),
        pltpu.VMEM((EDGES_PER_TILE,), jnp.float32),
        pltpu.VMEM((EDGES_PER_TILE,), jnp.float32),
    ],
)
def _sc_gather(ei_hbm, gates_hbm, outs_hbm, outt_hbm,
               gates_sh, sidx_v, tidx_v, souts_v, soutt_v):
    c = lax.axis_index("c")
    s = lax.axis_index("s")
    wid = c * NUM_SUBCORES + s
    base = wid * EDGES_PER_TILE

    @pl.when(s < 10)
    def _():
        sl = pl.ds(s * (N // 10), N // 10)
        pltpu.sync_copy(gates_hbm.at[sl], gates_sh.at[sl])

    pltpu.sync_copy(ei_hbm.at[0].at[pl.ds(base, EDGES_PER_TILE)], sidx_v)
    pltpu.sync_copy(ei_hbm.at[1].at[pl.ds(base, EDGES_PER_TILE)], tidx_v)

    plsc.subcore_barrier()

    pltpu.sync_copy(gates_sh.at[sidx_v], souts_v)
    pltpu.sync_copy(gates_sh.at[tidx_v], soutt_v)

    pltpu.sync_copy(souts_v, outs_hbm.at[pl.ds(base, EDGES_PER_TILE)])
    pltpu.sync_copy(soutt_v, outt_hbm.at[pl.ds(base, EDGES_PER_TILE)])


EDGE_BLOCK = 64000
EDGE_GRID = E // EDGE_BLOCK


def _edge_mlp_body(eft_ref, attnt_ref, sg_ref, tg_ref, we1a_ref, we1b_ref,
                   we1c_ref, be1t_ref, we2_ref, be2_ref, out_ref):
    i = pl.program_id(0)
    esl = pl.ds(i * EDGE_BLOCK, EDGE_BLOCK)
    cdims = (((0,), (0,)), ((), ()))
    ht = lax.dot_general(we1a_ref[...], eft_ref[...], cdims)
    ht = ht + lax.dot_general(we1b_ref[...], attnt_ref[...], cdims)
    sgtg = jnp.concatenate(
        [sg_ref[esl].reshape(1, EDGE_BLOCK), tg_ref[esl].reshape(1, EDGE_BLOCK)],
        axis=0)
    ht = ht + lax.dot_general(we1c_ref[...], sgtg, cdims)
    ht = ht + be1t_ref[...]
    ht = _gelu_exact(ht)
    logits = lax.dot_general(we2_ref[...], ht, cdims) + be2_ref[...]
    out_ref[esl] = jax.nn.sigmoid(logits)[0]


_edge_mlp = pl.pallas_call(
    _edge_mlp_body,
    grid=(EDGE_GRID,),
    in_specs=[
        pl.BlockSpec((D_EDGE, EDGE_BLOCK), lambda i: (0, i)),
        pl.BlockSpec((H, EDGE_BLOCK), lambda i: (0, i)),
        pl.BlockSpec((E,), lambda i: (0,)),
        pl.BlockSpec((E,), lambda i: (0,)),
        pl.BlockSpec((D_EDGE, D_EDGE), lambda i: (0, 0)),
        pl.BlockSpec((H, D_EDGE), lambda i: (0, 0)),
        pl.BlockSpec((2, D_EDGE), lambda i: (0, 0)),
        pl.BlockSpec((D_EDGE, 1), lambda i: (0, 0)),
        pl.BlockSpec((D_EDGE, 1), lambda i: (0, 0)),
        pl.BlockSpec((1, 1), lambda i: (0, 0)),
    ],
    out_specs=pl.BlockSpec((E,), lambda i: (0,)),
    out_shape=jax.ShapeDtypeStruct((E,), jnp.float32),
    compiler_params=pltpu.CompilerParams(
        dimension_semantics=("parallel",)),
)


def kernel(node_features, edge_features, edge_index, node_attn_weights,
           edge_attn_weights, Wn1, bn1, Wn2, bn2, We1, be1, We2, be2):
    attn_t = node_attn_weights.T

    zeros = jnp.zeros((H, N), jnp.float32)
    p0, p1 = _sc_scatter(edge_index, attn_t, zeros)

    node_gates = _node_mlp(
        p0, p1, node_features,
        Wn1[:D_NODE], Wn1[D_NODE:].T,
        bn1.reshape(-1, 1), Wn2, bn2.reshape(1, 1),
    )

    src_g, tgt_g = _sc_gather(edge_index, node_gates)

    edge_gates = _edge_mlp(
        edge_features.T, attn_t, src_g, tgt_g,
        We1[:D_EDGE], We1[D_EDGE:D_EDGE + H], We1[D_EDGE + H:],
        be1.reshape(-1, 1), We2, be2.reshape(1, 1),
    )

    return (node_gates, edge_gates)

# --- scband reference (transcript-rebuilt; emitter-appended) ---
"""Pipeline reference for scband-post-attention-pruner-70291434766422 (READ-ONLY COPY).

The authoritative reference and input builder live on the scoring server;
editing this copy changes nothing except your own understanding.
"""

import jax, jax.numpy as jnp
import numpy as np

N = 10000
E = 320000
D_NODE = 128
D_EDGE = 16
H = 4


def setup_inputs(seed: int = 0) -> dict:
    key = jax.random.key(seed)
    ks = jax.random.split(key, 13)
    node_features = jax.random.normal(ks[0], (N, D_NODE), dtype=jnp.float32)
    edge_features = jax.random.normal(ks[1], (E, D_EDGE), dtype=jnp.float32)
    edge_index = jax.random.randint(ks[2], (2, E), 0, N, dtype=jnp.int32)
    node_attn_weights = jax.random.uniform(ks[3], (E, H), dtype=jnp.float32)
    edge_attn_weights = jax.random.uniform(ks[4], (E, H), dtype=jnp.float32)
    # node_gate: Linear(D_NODE+H, D_NODE//2) -> GELU -> Linear(D_NODE//2, 1)
    Wn1 = 0.05 * jax.random.normal(ks[5], (D_NODE + H, D_NODE // 2), dtype=jnp.float32)
    bn1 = jnp.zeros((D_NODE // 2,), dtype=jnp.float32)
    Wn2 = 0.05 * jax.random.normal(ks[6], (D_NODE // 2, 1), dtype=jnp.float32)
    bn2 = jnp.zeros((1,), dtype=jnp.float32)
    # edge_gate: Linear(D_EDGE+H+2, D_EDGE) -> GELU -> Linear(D_EDGE, 1)
    We1 = 0.05 * jax.random.normal(ks[7], (D_EDGE + H + 2, D_EDGE), dtype=jnp.float32)
    be1 = jnp.zeros((D_EDGE,), dtype=jnp.float32)
    We2 = 0.05 * jax.random.normal(ks[8], (D_EDGE, 1), dtype=jnp.float32)
    be2 = jnp.zeros((1,), dtype=jnp.float32)
    return {
        "node_features": node_features,
        "edge_features": edge_features,
        "edge_index": edge_index,
        "node_attn_weights": node_attn_weights,
        "edge_attn_weights": edge_attn_weights,
        "Wn1": Wn1, "bn1": bn1, "Wn2": Wn2, "bn2": bn2,
        "We1": We1, "be1": be1, "We2": We2, "be2": be2,
    }


def reference(node_features, edge_features, edge_index, node_attn_weights,
              edge_attn_weights, Wn1, bn1, Wn2, bn2, We1, be1, We2, be2):
    temperature = 1.0
    # node_attn_weights already has H columns -> attn_h = node_attn_weights[:, :H]
    attn_h = node_attn_weights[:, :H]
    # per-head scatter-add of edge attention onto destination nodes
    node_attn_per_head = jnp.zeros((N, H), dtype=jnp.float32).at[edge_index[1]].add(attn_h)
    head_max = node_attn_per_head.max(axis=0, keepdims=True) + 1e-10
    node_attn_per_head = node_attn_per_head / head_max
    node_input = jnp.concatenate([node_features, node_attn_per_head], axis=-1)
    h1 = jax.nn.gelu(node_input @ Wn1 + bn1, approximate=False)
    node_logits = (h1 @ Wn2 + bn2)[:, 0]
    node_gates = jax.nn.sigmoid(node_logits * temperature)
    src_gates = node_gates[edge_index[0]][:, None]
    tgt_gates = node_gates[edge_index[1]][:, None]
    edge_input = jnp.concatenate([edge_features, attn_h, src_gates, tgt_gates], axis=-1)
    e1 = jax.nn.gelu(edge_input @ We1 + be1, approximate=False)
    edge_logits = (e1 @ We2 + be2)[:, 0]
    edge_gates = jax.nn.sigmoid(edge_logits * temperature)
    return (node_gates, edge_gates)

if __name__ == "__main__":
    import jax
    _d = setup_inputs()
    print(jax.jit(kernel)(*tuple(_d.values())))

</pallas_src>

<mosaic_0001>
#map = affine_map<(d0, d1) -> (0, 0)>
#map1 = affine_map<(d0, d1) -> (0)>
module attributes {stable_mosaic.version = 14 : i64} {
  func.func @_sc_gather(%arg0: i32, %arg1: i32, %arg2: memref<2x320000xi32, #tpu.memory_space<hbm>>, %arg3: memref<10000xf32, #tpu.memory_space<hbm>>, %arg4: memref<320000xf32, #tpu.memory_space<hbm>>, %arg5: memref<320000xf32, #tpu.memory_space<hbm>>, %arg6: memref<10000xf32, #tpu.memory_space<vmem_shared>>, %arg7: memref<10000xi32, #tpu.memory_space<vmem>>, %arg8: memref<10000xi32, #tpu.memory_space<vmem>>, %arg9: memref<10000xf32, #tpu.memory_space<vmem>>, %arg10: memref<10000xf32, #tpu.memory_space<vmem>>) attributes {dimension_semantics = [#tpu.dimension_semantics<core_parallel>, #tpu.dimension_semantics<subcore_parallel>], iteration_bounds = array<i64: 2, 16>, scalar_prefetch = 0 : i64, scratch_operands = 5 : i64, tpu.core_type = #tpu.core_type<sc_vector_subcore>, window_params = [{transform_indices = #map}, {transform_indices = #map1}, {transform_indices = #map1}, {transform_indices = #map1}]} {
    %mul3A = arith.constant 16 : i32
    %mul3A_0 = arith.muli %arg0, %mul3A : i32
    %add3A = arith.addi %mul3A_0, %arg1 : i32
    %mul3A_1 = arith.constant 10000 : i32
    %mul3A_2 = arith.muli %add3A, %mul3A_1 : i32
    %lt3A = arith.constant 10 : i32
    %lt3A_3 = arith.cmpi slt, %arg1, %lt3A : i32
    %convert_element_type3A = arith.extui %lt3A_3 : i1 to i32
    %cond3A = arith.constant 0 : i32
    %cond3A_4 = arith.cmpi ne, %convert_element_type3A, %cond3A : i32
    scf.if %cond3A_4 {
      %mul3A_6 = arith.constant 1000 : i32
      %mul3A_7 = arith.muli %arg1, %mul3A_6 : i32
      "tpu.region"() ({
        %run_scoped3A_8 = tpu.sem_alloc : memref<!tpu.dma_semaphore, #tpu.memory_space<semaphore_mem>>
        %dma_start3A = tpu.memref_slice %arg6[%mul3A_7] : memref<10000xf32, #tpu.memory_space<vmem_shared>> -> memref<1000xf32, #tpu.memory_space<vmem_shared>>
        %dma_start3A_9 = tpu.memref_slice %arg3[%mul3A_7] : memref<10000xf32, #tpu.memory_space<hbm>> -> memref<1000xf32, #tpu.memory_space<hbm>>
        tpu.enqueue_dma source(%dma_start3A_9 : memref<1000xf32, #tpu.memory_space<hbm>>) target(%dma_start3A : memref<1000xf32, #tpu.memory_space<vmem_shared>>) target_semaphore(%run_scoped3A_8 : memref<!tpu.dma_semaphore, #tpu.memory_space<semaphore_mem>>)
        %dma_wait3A = tpu.memref_slice %arg6[%mul3A_7] : memref<10000xf32, #tpu.memory_space<vmem_shared>> -> memref<1000xf32, #tpu.memory_space<vmem_shared>>
        %dma_wait3A_10 = tpu.memref_slice %arg3[%mul3A_7] : memref<10000xf32, #tpu.memory_space<hbm>> -> memref<1000xf32, #tpu.memory_space<hbm>>
        tpu.wait_dma2 semaphore(%run_scoped3A_8 : memref<!tpu.dma_semaphore, #tpu.memory_space<semaphore_mem>>) src(%dma_wait3A_10 : memref<1000xf32, #tpu.memory_space<hbm>>) dst(%dma_wait3A : memref<1000xf32, #tpu.memory_space<vmem_shared>>)
        tpu.yield
      }) : () -> ()
    } else {
    }
    %run_scoped3A = arith.constant 0 : i32
    "tpu.region"() ({
      %run_scoped3A_6 = tpu.sem_alloc : memref<!tpu.dma_semaphore, #tpu.memory_space<semaphore_mem>>
      %dma_start3A = arith.constant 0 : i32
      %dma_start3A_7 = tpu.memref_slice %arg2[%run_scoped3A, %dma_start3A] : memref<2x320000xi32, #tpu.memory_space<hbm>> -> memref<1x320000xi32, #tpu.memory_space<hbm>>
      %dma_start3A_8 = tpu.memref_squeeze %dma_start3A_7 : memref<1x320000xi32, #tpu.memory_space<hbm>> -> memref<320000xi32, #tpu.memory_space<hbm>>
      %dma_start3A_9 = tpu.memref_slice %dma_start3A_8[%mul3A_2] : memref<320000xi32, #tpu.memory_space<hbm>> -> memref<10000xi32, #tpu.memory_space<hbm>>
      %dma_start3A_10 = arith.constant 0 : i32
      %dma_start3A_11 = tpu.memref_slice %arg2[%run_scoped3A, %dma_start3A_10] : memref<2x320000xi32, #tpu.memory_space<hbm>> -> memref<1x320000xi32, #tpu.memory_space<hbm>>
      %dma_start3A_12 = tpu.memref_squeeze %dma_start3A_11 : memref<1x320000xi32, #tpu.memory_space<hbm>> -> memref<320000xi32, #tpu.memory_space<hbm>>
      %dma_start3A_13 = tpu.memref_slice %dma_start3A_12[%mul3A_2] : memref<320000xi32, #tpu.memory_space<hbm>> -> memref<10000xi32, #tpu.memory_space<hbm>>
      tpu.enqueue_dma source(%dma_start3A_13 : memref<10000xi32, #tpu.memory_space<hbm>>) target(%arg7 : memref<10000xi32, #tpu.memory_space<vmem>>) target_semaphore(%run_scoped3A_6 : memref<!tpu.dma_semaphore, #tpu.memory_space<semaphore_mem>>)
      %dma_wait3A = arith.constant 0 : i32
      %dma_wait3A_14 = tpu.memref_slice %arg2[%run_scoped3A, %dma_wait3A] : memref<2x320000xi32, #tpu.memory_space<hbm>> -> memref<1x320000xi32, #tpu.memory_space<hbm>>
      %dma_wait3A_15 = tpu.memref_squeeze %dma_wait3A_14 : memref<1x320000xi32, #tpu.memory_space<hbm>> -> memref<320000xi32, #tpu.memory_space<hbm>>
      %dma_wait3A_16 = tpu.memref_slice %dma_wait3A_15[%mul3A_2] : memref<320000xi32, #tpu.memory_space<hbm>> -> memref<10000xi32, #tpu.memory_space<hbm>>
      %dma_wait3A_17 = arith.constant 0 : i32
      %dma_wait3A_18 = tpu.memref_slice %arg2[%run_scoped3A, %dma_wait3A_17] : memref<2x320000xi32, #tpu.memory_space<hbm>> -> memref<1x320000xi32, #tpu.memory_space<hbm>>
      %dma_wait3A_19 = tpu.memref_squeeze %dma_wait3A_18 : memref<1x320000xi32, #tpu.memory_space<hbm>> -> memref<320000xi32, #tpu.memory_space<hbm>>
      %dma_wait3A_20 = tpu.memref_slice %dma_wait3A_19[%mul3A_2] : memref<320000xi32, #tpu.memory_space<hbm>> -> memref<10000xi32, #tpu.memory_space<hbm>>
      tpu.wait_dma2 semaphore(%run_scoped3A_6 : memref<!tpu.dma_semaphore, #tpu.memory_space<semaphore_mem>>) src(%dma_wait3A_20 : memref<10000xi32, #tpu.memory_space<hbm>>) dst(%arg7 : memref<10000xi32, #tpu.memory_space<vmem>>)
      tpu.yield
    }) : () -> ()
    %run_scoped3A_5 = arith.constant 1 : i32
    "tpu.region"() ({
      %run_scoped3A_6 = tpu.sem_alloc : memref<!tpu.dma_semaphore, #tpu.memory_space<semaphore_mem>>
      %dma_start3A = arith.constant 0 : i32
      %dma_start3A_7 = tpu.memref_slice %arg2[%run_scoped3A_5, %dma_start3A] : memref<2x320000xi32, #tpu.memory_space<hbm>> -> memref<1x320000xi32, #tpu.memory_space<hbm>>
      %dma_start3A_8 = tpu.memref_squeeze %dma_start3A_7 : memref<1x320000xi32, #tpu.memory_space<hbm>> -> memref<320000xi32, #tpu.memory_space<hbm>>
      %dma_start3A_9 = tpu.memref_slice %dma_start3A_8[%mul3A_2] : memref<320000xi32, #tpu.memory_space<hbm>> -> memref<10000xi32, #tpu.memory_space<hbm>>
      %dma_start3A_10 = arith.constant 0 : i32
      %dma_start3A_11 = tpu.memref_slice %arg2[%run_scoped3A_5, %dma_start3A_10] : memref<2x320000xi32, #tpu.memory_space<hbm>> -> memref<1x320000xi32, #tpu.memory_space<hbm>>
      %dma_start3A_12 = tpu.memref_squeeze %dma_start3A_11 : memref<1x320000xi32, #tpu.memory_space<hbm>> -> memref<320000xi32, #tpu.memory_space<hbm>>
      %dma_start3A_13 = tpu.memref_slice %dma_start3A_12[%mul3A_2] : memref<320000xi32, #tpu.memory_space<hbm>> -> memref<10000xi32, #tpu.memory_space<hbm>>
      tpu.enqueue_dma source(%dma_start3A_13 : memref<10000xi32, #tpu.memory_space<hbm>>) target(%arg8 : memref<10000xi32, #tpu.memory_space<vmem>>) target_semaphore(%run_scoped3A_6 : memref<!tpu.dma_semaphore, #tpu.memory_space<semaphore_mem>>)
      %dma_wait3A = arith.constant 0 : i32
      %dma_wait3A_14 = tpu.memref_slice %arg2[%run_scoped3A_5, %dma_wait3A] : memref<2x320000xi32, #tpu.memory_space<hbm>> -> memref<1x320000xi32, #tpu.memory_space<hbm>>
      %dma_wait3A_15 = tpu.memref_squeeze %dma_wait3A_14 : memref<1x320000xi32, #tpu.memory_space<hbm>> -> memref<320000xi32, #tpu.memory_space<hbm>>
      %dma_wait3A_16 = tpu.memref_slice %dma_wait3A_15[%mul3A_2] : memref<320000xi32, #tpu.memory_space<hbm>> -> memref<10000xi32, #tpu.memory_space<hbm>>
      %dma_wait3A_17 = arith.constant 0 : i32
      %dma_wait3A_18 = tpu.memref_slice %arg2[%run_scoped3A_5, %dma_wait3A_17] : memref<2x320000xi32, #tpu.memory_space<hbm>> -> memref<1x320000xi32, #tpu.memory_space<hbm>>
      %dma_wait3A_19 = tpu.memref_squeeze %dma_wait3A_18 : memref<1x320000xi32, #tpu.memory_space<hbm>> -> memref<320000xi32, #tpu.memory_space<hbm>>
      %dma_wait3A_20 = tpu.memref_slice %dma_wait3A_19[%mul3A_2] : memref<320000xi32, #tpu.memory_space<hbm>> -> memref<10000xi32, #tpu.memory_space<hbm>>
      tpu.wait_dma2 semaphore(%run_scoped3A_6 : memref<!tpu.dma_semaphore, #tpu.memory_space<semaphore_mem>>) src(%dma_wait3A_20 : memref<10000xi32, #tpu.memory_space<hbm>>) dst(%arg8 : memref<10000xi32, #tpu.memory_space<vmem>>)
      tpu.yield
    }) : () -> ()
    %barrier3A = arith.constant 0 : index
    tpu.barrier barrier_id(%barrier3A)
    "tpu.region"() ({
      %run_scoped3A_6 = tpu.sem_alloc : memref<!tpu.dma_semaphore, #tpu.memory_space<semaphore_mem>>
      %dma_start3A = arith.constant 0 : i32
      %dma_start3A_7 = tpu.memref_slice %arg6[%dma_start3A] : memref<10000xf32, #tpu.memory_space<vmem_shared>> -> memref<10000xf32, #tpu.memory_space<vmem_shared>>
      tpu.enqueue_indirect_dma source(%dma_start3A_7 : memref<10000xf32, #tpu.memory_space<vmem_shared>>) target(%arg9 : memref<10000xf32, #tpu.memory_space<vmem>>) offsets(%arg7 : memref<10000xi32, #tpu.memory_space<vmem>>) semaphore(%run_scoped3A_6 : memref<!tpu.dma_semaphore, #tpu.memory_space<semaphore_mem>>)
      %dma_wait3A = arith.constant 0 : i32
      %dma_wait3A_8 = tpu.memref_slice %arg6[%dma_wait3A] : memref<10000xf32, #tpu.memory_space<vmem_shared>> -> memref<10000xf32, #tpu.memory_space<vmem_shared>>
      tpu.wait_indirect_dma semaphore(%run_scoped3A_6 : memref<!tpu.dma_semaphore, #tpu.memory_space<semaphore_mem>>) src(%dma_wait3A_8 : memref<10000xf32, #tpu.memory_space<vmem_shared>>) dst(%arg9 : memref<10000xf32, #tpu.memory_space<vmem>>)
      tpu.yield
    }) : () -> ()
    "tpu.region"() ({
      %run_scoped3A_6 = tpu.sem_alloc : memref<!tpu.dma_semaphore, #tpu.memory_space<semaphore_mem>>
      %dma_start3A = arith.constant 0 : i32
      %dma_start3A_7 = tpu.memref_slice %arg6[%dma_start3A] : memref<10000xf32, #tpu.memory_space<vmem_shared>> -> memref<10000xf32, #tpu.memory_space<vmem_shared>>
      tpu.enqueue_indirect_dma source(%dma_start3A_7 : memref<10000xf32, #tpu.memory_space<vmem_shared>>) target(%arg10 : memref<10000xf32, #tpu.memory_space<vmem>>) offsets(%arg8 : memref<10000xi32, #tpu.memory_space<vmem>>) semaphore(%run_scoped3A_6 : memref<!tpu.dma_semaphore, #tpu.memory_space<semaphore_mem>>)
      %dma_wait3A = arith.constant 0 : i32
      %dma_wait3A_8 = tpu.memref_slice %arg6[%dma_wait3A] : memref<10000xf32, #tpu.memory_space<vmem_shared>> -> memref<10000xf32, #tpu.memory_space<vmem_shared>>
      tpu.wait_indirect_dma semaphore(%run_scoped3A_6 : memref<!tpu.dma_semaphore, #tpu.memory_space<semaphore_mem>>) src(%dma_wait3A_8 : memref<10000xf32, #tpu.memory_space<vmem_shared>>) dst(%arg10 : memref<10000xf32, #tpu.memory_space<vmem>>)
      tpu.yield
    }) : () -> ()
    "tpu.region"() ({
      %run_scoped3A_6 = tpu.sem_alloc : memref<!tpu.dma_semaphore, #tpu.memory_space<semaphore_mem>>
      %dma_start3A = tpu.memref_slice %arg4[%mul3A_2] : memref<320000xf32, #tpu.memory_space<hbm>> -> memref<10000xf32, #tpu.memory_space<hbm>>
      %dma_start3A_7 = tpu.memref_slice %arg4[%mul3A_2] : memref<320000xf32, #tpu.memory_space<hbm>> -> memref<10000xf32, #tpu.memory_space<hbm>>
      tpu.enqueue_dma source(%arg9 : memref<10000xf32, #tpu.memory_space<vmem>>) target(%dma_start3A_7 : memref<10000xf32, #tpu.memory_space<hbm>>) target_semaphore(%run_scoped3A_6 : memref<!tpu.dma_semaphore, #tpu.memory_space<semaphore_mem>>)
      %dma_wait3A = tpu.memref_slice %arg4[%mul3A_2] : memref<320000xf32, #tpu.memory_space<hbm>> -> memref<10000xf32, #tpu.memory_space<hbm>>
      %dma_wait3A_8 = tpu.memref_slice %arg4[%mul3A_2] : memref<320000xf32, #tpu.memory_space<hbm>> -> memref<10000xf32, #tpu.memory_space<hbm>>
      tpu.wait_dma2 semaphore(%run_scoped3A_6 : memref<!tpu.dma_semaphore, #tpu.memory_space<semaphore_mem>>) src(%arg9 : memref<10000xf32, #tpu.memory_space<vmem>>) dst(%dma_wait3A_8 : memref<10000xf32, #tpu.memory_space<hbm>>)
      tpu.yield
    }) : () -> ()
    "tpu.region"() ({
      %run_scoped3A_6 = tpu.sem_alloc : memref<!tpu.dma_semaphore, #tpu.memory_space<semaphore_mem>>
      %dma_start3A = tpu.memref_slice %arg5[%mul3A_2] : memref<320000xf32, #tpu.memory_space<hbm>> -> memref<10000xf32, #tpu.memory_space<hbm>>
      %dma_start3A_7 = tpu.memref_slice %arg5[%mul3A_2] : memref<320000xf32, #tpu.memory_space<hbm>> -> memref<10000xf32, #tpu.memory_space<hbm>>
      tpu.enqueue_dma source(%arg10 : memref<10000xf32, #tpu.memory_space<vmem>>) target(%dma_start3A_7 : memref<10000xf32, #tpu.memory_space<hbm>>) target_semaphore(%run_scoped3A_6 : memref<!tpu.dma_semaphore, #tpu.memory_space<semaphore_mem>>)
      %dma_wait3A = tpu.memref_slice %arg5[%mul3A_2] : memref<320000xf32, #tpu.memory_space<hbm>> -> memref<10000xf32, #tpu.memory_space<hbm>>
      %dma_wait3A_8 = tpu.memref_slice %arg5[%mul3A_2] : memref<320000xf32, #tpu.memory_space<hbm>> -> memref<10000xf32, #tpu.memory_space<hbm>>
      tpu.wait_dma2 semaphore(%run_scoped3A_6 : memref<!tpu.dma_semaphore, #tpu.memory_space<semaphore_mem>>) src(%arg10 : memref<10000xf32, #tpu.memory_space<vmem>>) dst(%dma_wait3A_8 : memref<10000xf32, #tpu.memory_space<hbm>>)
      tpu.yield
    }) : () -> ()
    return
  }
}

#map = affine_map<(d0, d1) -> (0, 0)>
module attributes {stable_mosaic.version = 14 : i64} {
  func.func @_sc_scatter(%arg0: i32, %arg1: i32, %arg2: memref<2x320000xi32, #tpu.memory_space<hbm>>, %arg3: memref<4x320000xf32, #tpu.memory_space<hbm>>, %arg4: memref<4x10000xf32, #tpu.memory_space<hbm>>, %arg5: memref<4x10000xf32, #tpu.memory_space<hbm>>, %arg6: memref<4x10000xf32, #tpu.memory_space<hbm>>, %arg7: memref<10000xi32, #tpu.memory_space<vmem>>, %arg8: memref<10000xf32, #tpu.memory_space<vmem>>, %arg9: memref<4x10000xf32, #tpu.memory_space<vmem_shared>>) attributes {dimension_semantics = [#tpu.dimension_semantics<core_parallel>, #tpu.dimension_semantics<subcore_parallel>], iteration_bounds = array<i64: 2, 16>, scalar_prefetch = 0 : i64, scratch_operands = 3 : i64, tpu.core_type = #tpu.core_type<sc_vector_subcore>, window_params = [{transform_indices = #map}, {transform_indices = #map}, {transform_indices = #map}, {transform_indices = #map}, {transform_indices = #map}]} {
    %mul3A = arith.constant 16 : i32
    %mul3A_0 = arith.muli %arg0, %mul3A : i32
    %add3A = arith.addi %mul3A_0, %arg1 : i32
    %lt3A = arith.constant 8 : i32
    %lt3A_1 = arith.cmpi slt, %arg1, %lt3A : i32
    %convert_element_type3A = arith.extui %lt3A_1 : i1 to i32
    %cond3A = arith.constant 0 : i32
    %cond3A_2 = arith.cmpi ne, %convert_element_type3A, %cond3A : i32
    scf.if %cond3A_2 {
      %jit3A = arith.constant 2 : i32
      %div3A = arith.divsi %arg1, %jit3A : i32
      %sign3A = arith.constant 0 : i32
      %sign3A_19 = arith.cmpi sgt, %arg1, %sign3A : i32
      %sign3A_20 = arith.extui %sign3A_19 : i1 to i32
      %sign3A_21 = arith.constant 0 : i32
      %sign3A_22 = arith.cmpi slt, %arg1, %sign3A_21 : i32
      %sign3A_23 = arith.extui %sign3A_22 : i1 to i32
      %sign3A_24 = arith.subi %sign3A_20, %sign3A_23 : i32
      %sign3A_25 = arith.constant 0 : i32
      %sign3A_26 = arith.cmpi sgt, %jit3A, %sign3A_25 : i32
      %sign3A_27 = arith.extui %sign3A_26 : i1 to i32
      %sign3A_28 = arith.constant 0 : i32
      %sign3A_29 = arith.cmpi slt, %jit3A, %sign3A_28 : i32
      %sign3A_30 = arith.extui %sign3A_29 : i1 to i32
      %sign3A_31 = arith.subi %sign3A_27, %sign3A_30 : i32
      %ne3A = arith.cmpi ne, %sign3A_24, %sign3A_31 : i32
      %rem3A = arith.remsi %arg1, %jit3A : i32
      %ne3A_32 = arith.constant 0 : i32
      %ne3A_33 = arith.cmpi ne, %rem3A, %ne3A_32 : i32
      %and3A = arith.andi %ne3A, %ne3A_33 : i1
      %sub3A = arith.constant 1 : i32
      %sub3A_34 = arith.subi %div3A, %sub3A : i32
      %select_n3A = arith.select %and3A, %sub3A_34, %div3A : i32
      %jit3A_35 = arith.constant 2 : i32
      %eq3A = arith.constant 0 : i32
      %eq3A_36 = arith.cmpi eq, %jit3A_35, %eq3A : i32
      %jit3A_37 = arith.constant 1 : i32
      %select_n3A_38 = arith.select %eq3A_36, %jit3A_37, %jit3A_35 : i32
      %rem3A_39 = arith.remsi %arg1, %select_n3A_38 : i32
      %ne3A_40 = arith.constant 0 : i32
      %ne3A_41 = arith.cmpi ne, %rem3A_39, %ne3A_40 : i32
      %lt3A_42 = arith.constant 0 : i32
      %lt3A_43 = arith.cmpi slt, %rem3A_39, %lt3A_42 : i32
      %lt3A_44 = arith.constant 0 : i32
      %lt3A_45 = arith.cmpi slt, %select_n3A_38, %lt3A_44 : i32
      %ne3A_46 = arith.xori %lt3A_43, %lt3A_45 : i1
      %and3A_47 = arith.andi %ne3A_46, %ne3A_41 : i1
      %add3A_48 = arith.addi %rem3A_39, %select_n3A_38 : i32
      %select_n3A_49 = arith.select %and3A_47, %add3A_48, %rem3A_39 : i32
      %mul3A_50 = arith.constant 5000 : i32
      %mul3A_51 = arith.muli %select_n3A_49, %mul3A_50 : i32
      "tpu.region"() ({
        %run_scoped3A_52 = tpu.sem_alloc : memref<!tpu.dma_semaphore, #tpu.memory_space<semaphore_mem>>
        %dma_start3A = arith.constant 0 : i32
        %dma_start3A_53 = tpu.memref_slice %arg9[%select_n3A, %dma_start3A] : memref<4x10000xf32, #tpu.memory_space<vmem_shared>> -> memref<1x10000xf32, #tpu.memory_space<vmem_shared>>
        %dma_start3A_54 = tpu.memref_squeeze %dma_start3A_53 : memref<1x10000xf32, #tpu.memory_space<vmem_shared>> -> memref<10000xf32, #tpu.memory_space<vmem_shared>>
        %dma_start3A_55 = tpu.memref_slice %dma_start3A_54[%mul3A_51] : memref<10000xf32, #tpu.memory_space<vmem_shared>> -> memref<5000xf32, #tpu.memory_space<vmem_shared>>
        %dma_start3A_56 = arith.constant 0 : i32
        %dma_start3A_57 = tpu.memref_slice %arg4[%select_n3A, %dma_start3A_56] : memref<4x10000xf32, #tpu.memory_space<hbm>> -> memref<1x10000xf32, #tpu.memory_space<hbm>>
        %dma_start3A_58 = tpu.memref_squeeze %dma_start3A_57 : memref<1x10000xf32, #tpu.memory_space<hbm>> -> memref<10000xf32, #tpu.memory_space<hbm>>
        %dma_start3A_59 = tpu.memref_slice %dma_start3A_58[%mul3A_51] : memref<10000xf32, #tpu.memory_space<hbm>> -> memref<5000xf32, #tpu.memory_space<hbm>>
        tpu.enqueue_dma source(%dma_start3A_59 : memref<5000xf32, #tpu.memory_space<hbm>>) target(%dma_start3A_55 : memref<5000xf32, #tpu.memory_space<vmem_shared>>) target_semaphore(%run_scoped3A_52 : memref<!tpu.dma_semaphore, #tpu.memory_space<semaphore_mem>>)
        %dma_wait3A = arith.constant 0 : i32
        %dma_wait3A_60 = tpu.memref_slice %arg9[%select_n3A, %dma_wait3A] : memref<4x10000xf32, #tpu.memory_space<vmem_shared>> -> memref<1x10000xf32, #tpu.memory_space<vmem_shared>>
        %dma_wait3A_61 = tpu.memref_squeeze %dma_wait3A_60 : memref<1x10000xf32, #tpu.memory_space<vmem_shared>> -> memref<10000xf32, #tpu.memory_space<vmem_shared>>
        %dma_wait3A_62 = tpu.memref_slice %dma_wait3A_61[%mul3A_51] : memref<10000xf32, #tpu.memory_space<vmem_shared>> -> memref<5000xf32, #tpu.memory_space<vmem_shared>>
        %dma_wait3A_63 = arith.constant 0 : i32
        %dma_wait3A_64 = tpu.memref_slice %arg4[%select_n3A, %dma_wait3A_63] : memref<4x10000xf32, #tpu.memory_space<hbm>> -> memref<1x10000xf32, #tpu.memory_space<hbm>>
        %dma_wait3A_65 = tpu.memref_squeeze %dma_wait3A_64 : memref<1x10000xf32, #tpu.memory_space<hbm>> -> memref<10000xf32, #tpu.memory_space<hbm>>
        %dma_wait3A_66 = tpu.memref_slice %dma_wait3A_65[%mul3A_51] : memref<10000xf32, #tpu.memory_space<hbm>> -> memref<5000xf32, #tpu.memory_space<hbm>>
        tpu.wait_dma2 semaphore(%run_scoped3A_52 : memref<!tpu.dma_semaphore, #tpu.memory_space<semaphore_mem>>) src(%dma_wait3A_66 : memref<5000xf32, #tpu.memory_space<hbm>>) dst(%dma_wait3A_62 : memref<5000xf32, #tpu.memory_space<vmem_shared>>)
        tpu.yield
      }) : () -> ()
    } else {
    }
    %mul3A_3 = arith.constant 10000 : i32
    %mul3A_4 = arith.muli %add3A, %mul3A_3 : i32
    %run_scoped3A = arith.constant 1 : i32
    "tpu.region"() ({
      %run_scoped3A_19 = tpu.sem_alloc : memref<!tpu.dma_semaphore, #tpu.memory_space<semaphore_mem>>
      %dma_start3A = arith.constant 0 : i32
      %dma_start3A_20 = tpu.memref_slice %arg2[%run_scoped3A, %dma_start3A] : memref<2x320000xi32, #tpu.memory_space<hbm>> -> memref<1x320000xi32, #tpu.memory_space<hbm>>
      %dma_start3A_21 = tpu.memref_squeeze %dma_start3A_20 : memref<1x320000xi32, #tpu.memory_space<hbm>> -> memref<320000xi32, #tpu.memory_space<hbm>>
      %dma_start3A_22 = tpu.memref_slice %dma_start3A_21[%mul3A_4] : memref<320000xi32, #tpu.memory_space<hbm>> -> memref<10000xi32, #tpu.memory_space<hbm>>
      %dma_start3A_23 = arith.constant 0 : i32
      %dma_start3A_24 = tpu.memref_slice %arg2[%run_scoped3A, %dma_start3A_23] : memref<2x320000xi32, #tpu.memory_space<hbm>> -> memref<1x320000xi32, #tpu.memory_space<hbm>>
      %dma_start3A_25 = tpu.memref_squeeze %dma_start3A_24 : memref<1x320000xi32, #tpu.memory_space<hbm>> -> memref<320000xi32, #tpu.memory_space<hbm>>
      %dma_start3A_26 = tpu.memref_slice %dma_start3A_25[%mul3A_4] : memref<320000xi32, #tpu.memory_space<hbm>> -> memref<10000xi32, #tpu.memory_space<hbm>>
      tpu.enqueue_dma source(%dma_start3A_26 : memref<10000xi32, #tpu.memory_space<hbm>>) target(%arg7 : memref<10000xi32, #tpu.memory_space<vmem>>) target_semaphore(%run_scoped3A_19 : memref<!tpu.dma_semaphore, #tpu.memory_space<semaphore_mem>>)
      %dma_wait3A = arith.constant 0 : i32
      %dma_wait3A_27 = tpu.memref_slice %arg2[%run_scoped3A, %dma_wait3A] : memref<2x320000xi32, #tpu.memory_space<hbm>> -> memref<1x320000xi32, #tpu.memory_space<hbm>>
      %dma_wait3A_28 = tpu.memref_squeeze %dma_wait3A_27 : memref<1x320000xi32, #tpu.memory_space<hbm>> -> memref<320000xi32, #tpu.memory_space<hbm>>
      %dma_wait3A_29 = tpu.memref_slice %dma_wait3A_28[%mul3A_4] : memref<320000xi32, #tpu.memory_space<hbm>> -> memref<10000xi32, #tpu.memory_space<hbm>>
      %dma_wait3A_30 = arith.constant 0 : i32
      %dma_wait3A_31 = tpu.memref_slice %arg2[%run_scoped3A, %dma_wait3A_30] : memref<2x320000xi32, #tpu.memory_space<hbm>> -> memref<1x320000xi32, #tpu.memory_space<hbm>>
      %dma_wait3A_32 = tpu.memref_squeeze %dma_wait3A_31 : memref<1x320000xi32, #tpu.memory_space<hbm>> -> memref<320000xi32, #tpu.memory_space<hbm>>
      %dma_wait3A_33 = tpu.memref_slice %dma_wait3A_32[%mul3A_4] : memref<320000xi32, #tpu.memory_space<hbm>> -> memref<10000xi32, #tpu.memory_space<hbm>>
      tpu.wait_dma2 semaphore(%run_scoped3A_19 : memref<!tpu.dma_semaphore, #tpu.memory_space<semaphore_mem>>) src(%dma_wait3A_33 : memref<10000xi32, #tpu.memory_space<hbm>>) dst(%arg7 : memref<10000xi32, #tpu.memory_space<vmem>>)
      tpu.yield
    }) : () -> ()
    %barrier3A = arith.constant 0 : index
    tpu.barrier barrier_id(%barrier3A)
    %run_scoped3A_5 = arith.constant 0 : i32
    "tpu.region"() ({
      %run_scoped3A_19 = tpu.sem_alloc : memref<!tpu.dma_semaphore, #tpu.memory_space<semaphore_mem>>
      %dma_start3A = arith.constant 0 : i32
      %dma_start3A_20 = tpu.memref_slice %arg3[%run_scoped3A_5, %dma_start3A] : memref<4x320000xf32, #tpu.memory_space<hbm>> -> memref<1x320000xf32, #tpu.memory_space<hbm>>
      %dma_start3A_21 = tpu.memref_squeeze %dma_start3A_20 : memref<1x320000xf32, #tpu.memory_space<hbm>> -> memref<320000xf32, #tpu.memory_space<hbm>>
      %dma_start3A_22 = tpu.memref_slice %dma_start3A_21[%mul3A_4] : memref<320000xf32, #tpu.memory_space<hbm>> -> memref<10000xf32, #tpu.memory_space<hbm>>
      %dma_start3A_23 = arith.constant 0 : i32
      %dma_start3A_24 = tpu.memref_slice %arg3[%run_scoped3A_5, %dma_start3A_23] : memref<4x320000xf32, #tpu.memory_space<hbm>> -> memref<1x320000xf32, #tpu.memory_space<hbm>>
      %dma_start3A_25 = tpu.memref_squeeze %dma_start3A_24 : memref<1x320000xf32, #tpu.memory_space<hbm>> -> memref<320000xf32, #tpu.memory_space<hbm>>
      %dma_start3A_26 = tpu.memref_slice %dma_start3A_25[%mul3A_4] : memref<320000xf32, #tpu.memory_space<hbm>> -> memref<10000xf32, #tpu.memory_space<hbm>>
      tpu.enqueue_dma source(%dma_start3A_26 : memref<10000xf32, #tpu.memory_space<hbm>>) target(%arg8 : memref<10000xf32, #tpu.memory_space<vmem>>) target_semaphore(%run_scoped3A_19 : memref<!tpu.dma_semaphore, #tpu.memory_space<semaphore_mem>>)
      %dma_wait3A = arith.constant 0 : i32
      %dma_wait3A_27 = tpu.memref_slice %arg3[%run_scoped3A_5, %dma_wait3A] : memref<4x320000xf32, #tpu.memory_space<hbm>> -> memref<1x320000xf32, #tpu.memory_space<hbm>>
      %dma_wait3A_28 = tpu.memref_squeeze %dma_wait3A_27 : memref<1x320000xf32, #tpu.memory_space<hbm>> -> memref<320000xf32, #tpu.memory_space<hbm>>
      %dma_wait3A_29 = tpu.memref_slice %dma_wait3A_28[%mul3A_4] : memref<320000xf32, #tpu.memory_space<hbm>> -> memref<10000xf32, #tpu.memory_space<hbm>>
      %dma_wait3A_30 = arith.constant 0 : i32
      %dma_wait3A_31 = tpu.memref_slice %arg3[%run_scoped3A_5, %dma_wait3A_30] : memref<4x320000xf32, #tpu.memory_space<hbm>> -> memref<1x320000xf32, #tpu.memory_space<hbm>>
      %dma_wait3A_32 = tpu.memref_squeeze %dma_wait3A_31 : memref<1x320000xf32, #tpu.memory_space<hbm>> -> memref<320000xf32, #tpu.memory_space<hbm>>
      %dma_wait3A_33 = tpu.memref_slice %dma_wait3A_32[%mul3A_4] : memref<320000xf32, #tpu.memory_space<hbm>> -> memref<10000xf32, #tpu.memory_space<hbm>>
      tpu.wait_dma2 semaphore(%run_scoped3A_19 : memref<!tpu.dma_semaphore, #tpu.memory_space<semaphore_mem>>) src(%dma_wait3A_33 : memref<10000xf32, #tpu.memory_space<hbm>>) dst(%arg8 : memref<10000xf32, #tpu.memory_space<vmem>>)
      tpu.yield
    }) : () -> ()
    %run_scoped3A_6 = arith.constant 0 : i32
    "tpu.region"() ({
      %run_scoped3A_19 = tpu.sem_alloc : memref<!tpu.dma_semaphore, #tpu.memory_space<semaphore_mem>>
      %dma_start3A = arith.constant 0 : i32
      %dma_start3A_20 = tpu.memref_slice %arg9[%run_scoped3A_6, %dma_start3A] : memref<4x10000xf32, #tpu.memory_space<vmem_shared>> -> memref<1x10000xf32, #tpu.memory_space<vmem_shared>>
      %dma_start3A_21 = tpu.memref_squeeze %dma_start3A_20 : memref<1x10000xf32, #tpu.memory_space<vmem_shared>> -> memref<10000xf32, #tpu.memory_space<vmem_shared>>
      %dma_start3A_22 = arith.constant 0 : i32
      %dma_start3A_23 = tpu.memref_slice %dma_start3A_21[%dma_start3A_22] : memref<10000xf32, #tpu.memory_space<vmem_shared>> -> memref<10000xf32, #tpu.memory_space<vmem_shared>>
      tpu.enqueue_indirect_dma source(%arg8 : memref<10000xf32, #tpu.memory_space<vmem>>) target(%dma_start3A_23 : memref<10000xf32, #tpu.memory_space<vmem_shared>>) offsets(%arg7 : memref<10000xi32, #tpu.memory_space<vmem>>) semaphore(%run_scoped3A_19 : memref<!tpu.dma_semaphore, #tpu.memory_space<semaphore_mem>>) {add = true}
      %dma_wait3A = arith.constant 0 : i32
      %dma_wait3A_24 = tpu.memref_slice %arg9[%run_scoped3A_6, %dma_wait3A] : memref<4x10000xf32, #tpu.memory_space<vmem_shared>> -> memref<1x10000xf32, #tpu.memory_space<vmem_shared>>
      %dma_wait3A_25 = tpu.memref_squeeze %dma_wait3A_24 : memref<1x10000xf32, #tpu.memory_space<vmem_shared>> -> memref<10000xf32, #tpu.memory_space<vmem_shared>>
      %dma_wait3A_26 = arith.constant 0 : i32
      %dma_wait3A_27 = tpu.memref_slice %dma_wait3A_25[%dma_wait3A_26] : memref<10000xf32, #tpu.memory_space<vmem_shared>> -> memref<10000xf32, #tpu.memory_space<vmem_shared>>
      tpu.wait_indirect_dma semaphore(%run_scoped3A_19 : memref<!tpu.dma_semaphore, #tpu.memory_space<semaphore_mem>>) src(%arg8 : memref<10000xf32, #tpu.memory_space<vmem>>) dst(%dma_wait3A_27 : memref<10000xf32, #tpu.memory_space<vmem_shared>>)
      tpu.yield
    }) : () -> ()
    %run_scoped3A_7 = arith.constant 1 : i32
    "tpu.region"() ({
      %run_scoped3A_19 = tpu.sem_alloc : memref<!tpu.dma_semaphore, #tpu.memory_space<semaphore_mem>>
      %dma_start3A = arith.constant 0 : i32
      %dma_start3A_20 = tpu.memref_slice %arg3[%run_scoped3A_7, %dma_start3A] : memref<4x320000xf32, #tpu.memory_space<hbm>> -> memref<1x320000xf32, #tpu.memory_space<hbm>>
      %dma_start3A_21 = tpu.memref_squeeze %dma_start3A_20 : memref<1x320000xf32, #tpu.memory_space<hbm>> -> memref<320000xf32, #tpu.memory_space<hbm>>
      %dma_start3A_22 = tpu.memref_slice %dma_start3A_21[%mul3A_4] : memref<320000xf32, #tpu.memory_space<hbm>> -> memref<10000xf32, #tpu.memory_space<hbm>>
      %dma_start3A_23 = arith.constant 0 : i32
      %dma_start3A_24 = tpu.memref_slice %arg3[%run_scoped3A_7, %dma_start3A_23] : memref<4x320000xf32, #tpu.memory_space<hbm>> -> memref<1x320000xf32, #tpu.memory_space<hbm>>
      %dma_start3A_25 = tpu.memref_squeeze %dma_start3A_24 : memref<1x320000xf32, #tpu.memory_space<hbm>> -> memref<320000xf32, #tpu.memory_space<hbm>>
      %dma_start3A_26 = tpu.memref_slice %dma_start3A_25[%mul3A_4] : memref<320000xf32, #tpu.memory_space<hbm>> -> memref<10000xf32, #tpu.memory_space<hbm>>
      tpu.enqueue_dma source(%dma_start3A_26 : memref<10000xf32, #tpu.memory_space<hbm>>) target(%arg8 : memref<10000xf32, #tpu.memory_space<vmem>>) target_semaphore(%run_scoped3A_19 : memref<!tpu.dma_semaphore, #tpu.memory_space<semaphore_mem>>)
      %dma_wait3A = arith.constant 0 : i32
      %dma_wait3A_27 = tpu.memref_slice %arg3[%run_scoped3A_7, %dma_wait3A] : memref<4x320000xf32, #tpu.memory_space<hbm>> -> memref<1x320000xf32, #tpu.memory_space<hbm>>
      %dma_wait3A_28 = tpu.memref_squeeze %dma_wait3A_27 : memref<1x320000xf32, #tpu.memory_space<hbm>> -> memref<320000xf32, #tpu.memory_space<hbm>>
      %dma_wait3A_29 = tpu.memref_slice %dma_wait3A_28[%mul3A_4] : memref<320000xf32, #tpu.memory_space<hbm>> -> memref<10000xf32, #tpu.memory_space<hbm>>
      %dma_wait3A_30 = arith.constant 0 : i32
      %dma_wait3A_31 = tpu.memref_slice %arg3[%run_scoped3A_7, %dma_wait3A_30] : memref<4x320000xf32, #tpu.memory_space<hbm>> -> memref<1x320000xf32, #tpu.memory_space<hbm>>
      %dma_wait3A_32 = tpu.memref_squeeze %dma_wait3A_31 : memref<1x320000xf32, #tpu.memory_space<hbm>> -> memref<320000xf32, #tpu.memory_space<hbm>>
      %dma_wait3A_33 = tpu.memref_slice %dma_wait3A_32[%mul3A_4] : memref<320000xf32, #tpu.memory_space<hbm>> -> memref<10000xf32, #tpu.memory_space<hbm>>
      tpu.wait_dma2 semaphore(%run_scoped3A_19 : memref<!tpu.dma_semaphore, #tpu.memory_space<semaphore_mem>>) src(%dma_wait3A_33 : memref<10000xf32, #tpu.memory_space<hbm>>) dst(%arg8 : memref<10000xf32, #tpu.memory_space<vmem>>)
      tpu.yield
    }) : () -> ()
    %run_scoped3A_8 = arith.constant 1 : i32
    "tpu.region"() ({
      %run_scoped3A_19 = tpu.sem_alloc : memref<!tpu.dma_semaphore, #tpu.memory_space<semaphore_mem>>
      %dma_start3A = arith.constant 0 : i32
      %dma_start3A_20 = tpu.memref_slice %arg9[%run_scoped3A_8, %dma_start3A] : memref<4x10000xf32, #tpu.memory_space<vmem_shared>> -> memref<1x10000xf32, #tpu.memory_space<vmem_shared>>
      %dma_start3A_21 = tpu.memref_squeeze %dma_start3A_20 : memref<1x10000xf32, #tpu.memory_space<vmem_shared>> -> memref<10000xf32, #tpu.memory_space<vmem_shared>>
      %dma_start3A_22 = arith.constant 0 : i32
      %dma_start3A_23 = tpu.memref_slice %dma_start3A_21[%dma_start3A_22] : memref<10000xf32, #tpu.memory_space<vmem_shared>> -> memref<10000xf32, #tpu.memory_space<vmem_shared>>
      tpu.enqueue_indirect_dma source(%arg8 : memref<10000xf32, #tpu.memory_space<vmem>>) target(%dma_start3A_23 : memref<10000xf32, #tpu.memory_space<vmem_shared>>) offsets(%arg7 : memref<10000xi32, #tpu.memory_space<vmem>>) semaphore(%run_scoped3A_19 : memref<!tpu.dma_semaphore, #tpu.memory_space<semaphore_mem>>) {add = true}
      %dma_wait3A = arith.constant 0 : i32
      %dma_wait3A_24 = tpu.memref_slice %arg9[%run_scoped3A_8, %dma_wait3A] : memref<4x10000xf32, #tpu.memory_space<vmem_shared>> -> memref<1x10000xf32, #tpu.memory_space<vmem_shared>>
      %dma_wait3A_25 = tpu.memref_squeeze %dma_wait3A_24 : memref<1x10000xf32, #tpu.memory_space<vmem_shared>> -> memref<10000xf32, #tpu.memory_space<vmem_shared>>
      %dma_wait3A_26 = arith.constant 0 : i32
      %dma_wait3A_27 = tpu.memref_slice %dma_wait3A_25[%dma_wait3A_26] : memref<10000xf32, #tpu.memory_space<vmem_shared>> -> memref<10000xf32, #tpu.memory_space<vmem_shared>>
      tpu.wait_indirect_dma semaphore(%run_scoped3A_19 : memref<!tpu.dma_semaphore, #tpu.memory_space<semaphore_mem>>) src(%arg8 : memref<10000xf32, #tpu.memory_space<vmem>>) dst(%dma_wait3A_27 : memref<10000xf32, #tpu.memory_space<vmem_shared>>)
      tpu.yield
    }) : () -> ()
    %run_scoped3A_9 = arith.constant 2 : i32
    "tpu.region"() ({
      %run_scoped3A_19 = tpu.sem_alloc : memref<!tpu.dma_semaphore, #tpu.memory_space<semaphore_mem>>
      %dma_start3A = arith.constant 0 : i32
      %dma_start3A_20 = tpu.memref_slice %arg3[%run_scoped3A_9, %dma_start3A] : memref<4x320000xf32, #tpu.memory_space<hbm>> -> memref<1x320000xf32, #tpu.memory_space<hbm>>
      %dma_start3A_21 = tpu.memref_squeeze %dma_start3A_20 : memref<1x320000xf32, #tpu.memory_space<hbm>> -> memref<320000xf32, #tpu.memory_space<hbm>>
      %dma_start3A_22 = tpu.memref_slice %dma_start3A_21[%mul3A_4] : memref<320000xf32, #tpu.memory_space<hbm>> -> memref<10000xf32, #tpu.memory_space<hbm>>
      %dma_start3A_23 = arith.constant 0 : i32
      %dma_start3A_24 = tpu.memref_slice %arg3[%run_scoped3A_9, %dma_start3A_23] : memref<4x320000xf32, #tpu.memory_space<hbm>> -> memref<1x320000xf32, #tpu.memory_space<hbm>>
      %dma_start3A_25 = tpu.memref_squeeze %dma_start3A_24 : memref<1x320000xf32, #tpu.memory_space<hbm>> -> memref<320000xf32, #tpu.memory_space<hbm>>
      %dma_start3A_26 = tpu.memref_slice %dma_start3A_25[%mul3A_4] : memref<320000xf32, #tpu.memory_space<hbm>> -> memref<10000xf32, #tpu.memory_space<hbm>>
      tpu.enqueue_dma source(%dma_start3A_26 : memref<10000xf32, #tpu.memory_space<hbm>>) target(%arg8 : memref<10000xf32, #tpu.memory_space<vmem>>) target_semaphore(%run_scoped3A_19 : memref<!tpu.dma_semaphore, #tpu.memory_space<semaphore_mem>>)
      %dma_wait3A = arith.constant 0 : i32
      %dma_wait3A_27 = tpu.memref_slice %arg3[%run_scoped3A_9, %dma_wait3A] : memref<4x320000xf32, #tpu.memory_space<hbm>> -> memref<1x320000xf32, #tpu.memory_space<hbm>>
      %dma_wait3A_28 = tpu.memref_squeeze %dma_wait3A_27 : memref<1x320000xf32, #tpu.memory_space<hbm>> -> memref<320000xf32, #tpu.memory_space<hbm>>
      %dma_wait3A_29 = tpu.memref_slice %dma_wait3A_28[%mul3A_4] : memref<320000xf32, #tpu.memory_space<hbm>> -> memref<10000xf32, #tpu.memory_space<hbm>>
      %dma_wait3A_30 = arith.constant 0 : i32
      %dma_wait3A_31 = tpu.memref_slice %arg3[%run_scoped3A_9, %dma_wait3A_30] : memref<4x320000xf32, #tpu.memory_space<hbm>> -> memref<1x320000xf32, #tpu.memory_space<hbm>>
      %dma_wait3A_32 = tpu.memref_squeeze %dma_wait3A_31 : memref<1x320000xf32, #tpu.memory_space<hbm>> -> memref<320000xf32, #tpu.memory_space<hbm>>
      %dma_wait3A_33 = tpu.memref_slice %dma_wait3A_32[%mul3A_4] : memref<320000xf32, #tpu.memory_space<hbm>> -> memref<10000xf32, #tpu.memory_space<hbm>>
      tpu.wait_dma2 semaphore(%run_scoped3A_19 : memref<!tpu.dma_semaphore, #tpu.memory_space<semaphore_mem>>) src(%dma_wait3A_33 : memref<10000xf32, #tpu.memory_space<hbm>>) dst(%arg8 : memref<10000xf32, #tpu.memory_space<vmem>>)
      tpu.yield
    }) : () -> ()
    %run_scoped3A_10 = arith.constant 2 : i32
    "tpu.region"() ({
      %run_scoped3A_19 = tpu.sem_alloc : memref<!tpu.dma_semaphore, #tpu.memory_space<semaphore_mem>>
      %dma_start3A = arith.constant 0 : i32
      %dma_start3A_20 = tpu.memref_slice %arg9[%run_scoped3A_10, %dma_start3A] : memref<4x10000xf32, #tpu.memory_space<vmem_shared>> -> memref<1x10000xf32, #tpu.memory_space<vmem_shared>>
      %dma_start3A_21 = tpu.memref_squeeze %dma_start3A_20 : memref<1x10000xf32, #tpu.memory_space<vmem_shared>> -> memref<10000xf32, #tpu.memory_space<vmem_shared>>
      %dma_start3A_22 = arith.constant 0 : i32
      %dma_start3A_23 = tpu.memref_slice %dma_start3A_21[%dma_start3A_22] : memref<10000xf32, #tpu.memory_space<vmem_shared>> -> memref<10000xf32, #tpu.memory_space<vmem_shared>>
      tpu.enqueue_indirect_dma source(%arg8 : memref<10000xf32, #tpu.memory_space<vmem>>) target(%dma_start3A_23 : memref<10000xf32, #tpu.memory_space<vmem_shared>>) offsets(%arg7 : memref<10000xi32, #tpu.memory_space<vmem>>) semaphore(%run_scoped3A_19 : memref<!tpu.dma_semaphore, #tpu.memory_space<semaphore_mem>>) {add = true}
      %dma_wait3A = arith.constant 0 : i32
      %dma_wait3A_24 = tpu.memref_slice %arg9[%run_scoped3A_10, %dma_wait3A] : memref<4x10000xf32, #tpu.memory_space<vmem_shared>> -> memref<1x10000xf32, #tpu.memory_space<vmem_shared>>
      %dma_wait3A_25 = tpu.memref_squeeze %dma_wait3A_24 : memref<1x10000xf32, #tpu.memory_space<vmem_shared>> -> memref<10000xf32, #tpu.memory_space<vmem_shared>>
      %dma_wait3A_26 = arith.constant 0 : i32
      %dma_wait3A_27 = tpu.memref_slice %dma_wait3A_25[%dma_wait3A_26] : memref<10000xf32, #tpu.memory_space<vmem_shared>> -> memref<10000xf32, #tpu.memory_space<vmem_shared>>
      tpu.wait_indirect_dma semaphore(%run_scoped3A_19 : memref<!tpu.dma_semaphore, #tpu.memory_space<semaphore_mem>>) src(%arg8 : memref<10000xf32, #tpu.memory_space<vmem>>) dst(%dma_wait3A_27 : memref<10000xf32, #tpu.memory_space<vmem_shared>>)
      tpu.yield
    }) : () -> ()
    %run_scoped3A_11 = arith.constant 3 : i32
    "tpu.region"() ({
      %run_scoped3A_19 = tpu.sem_alloc : memref<!tpu.dma_semaphore, #tpu.memory_space<semaphore_mem>>
      %dma_start3A = arith.constant 0 : i32
      %dma_start3A_20 = tpu.memref_slice %arg3[%run_scoped3A_11, %dma_start3A] : memref<4x320000xf32, #tpu.memory_space<hbm>> -> memref<1x320000xf32, #tpu.memory_space<hbm>>
      %dma_start3A_21 = tpu.memref_squeeze %dma_start3A_20 : memref<1x320000xf32, #tpu.memory_space<hbm>> -> memref<320000xf32, #tpu.memory_space<hbm>>
      %dma_start3A_22 = tpu.memref_slice %dma_start3A_21[%mul3A_4] : memref<320000xf32, #tpu.memory_space<hbm>> -> memref<10000xf32, #tpu.memory_space<hbm>>
      %dma_start3A_23 = arith.constant 0 : i32
      %dma_start3A_24 = tpu.memref_slice %arg3[%run_scoped3A_11, %dma_start3A_23] : memref<4x320000xf32, #tpu.memory_space<hbm>> -> memref<1x320000xf32, #tpu.memory_space<hbm>>
      %dma_start3A_25 = tpu.memref_squeeze %dma_start3A_24 : memref<1x320000xf32, #tpu.memory_space<hbm>> -> memref<320000xf32, #tpu.memory_space<hbm>>
      %dma_start3A_26 = tpu.memref_slice %dma_start3A_25[%mul3A_4] : memref<320000xf32, #tpu.memory_space<hbm>> -> memref<10000xf32, #tpu.memory_space<hbm>>
      tpu.enqueue_dma source(%dma_start3A_26 : memref<10000xf32, #tpu.memory_space<hbm>>) target(%arg8 : memref<10000xf32, #tpu.memory_space<vmem>>) target_semaphore(%run_scoped3A_19 : memref<!tpu.dma_semaphore, #tpu.memory_space<semaphore_mem>>)
      %dma_wait3A = arith.constant 0 : i32
      %dma_wait3A_27 = tpu.memref_slice %arg3[%run_scoped3A_11, %dma_wait3A] : memref<4x320000xf32, #tpu.memory_space<hbm>> -> memref<1x320000xf32, #tpu.memory_space<hbm>>
      %dma_wait3A_28 = tpu.memref_squeeze %dma_wait3A_27 : memref<1x320000xf32, #tpu.memory_space<hbm>> -> memref<320000xf32, #tpu.memory_space<hbm>>
      %dma_wait3A_29 = tpu.memref_slice %dma_wait3A_28[%mul3A_4] : memref<320000xf32, #tpu.memory_space<hbm>> -> memref<10000xf32, #tpu.memory_space<hbm>>
      %dma_wait3A_30 = arith.constant 0 : i32
      %dma_wait3A_31 = tpu.memref_slice %arg3[%run_scoped3A_11, %dma_wait3A_30] : memref<4x320000xf32, #tpu.memory_space<hbm>> -> memref<1x320000xf32, #tpu.memory_space<hbm>>
      %dma_wait3A_32 = tpu.memref_squeeze %dma_wait3A_31 : memref<1x320000xf32, #tpu.memory_space<hbm>> -> memref<320000xf32, #tpu.memory_space<hbm>>
      %dma_wait3A_33 = tpu.memref_slice %dma_wait3A_32[%mul3A_4] : memref<320000xf32, #tpu.memory_space<hbm>> -> memref<10000xf32, #tpu.memory_space<hbm>>
      tpu.wait_dma2 semaphore(%run_scoped3A_19 : memref<!tpu.dma_semaphore, #tpu.memory_space<semaphore_mem>>) src(%dma_wait3A_33 : memref<10000xf32, #tpu.memory_space<hbm>>) dst(%arg8 : memref<10000xf32, #tpu.memory_space<vmem>>)
      tpu.yield
    }) : () -> ()
    %run_scoped3A_12 = arith.constant 3 : i32
    "tpu.region"() ({
      %run_scoped3A_19 = tpu.sem_alloc : memref<!tpu.dma_semaphore, #tpu.memory_space<semaphore_mem>>
      %dma_start3A = arith.constant 0 : i32
      %dma_start3A_20 = tpu.memref_slice %arg9[%run_scoped3A_12, %dma_start3A] : memref<4x10000xf32, #tpu.memory_space<vmem_shared>> -> memref<1x10000xf32, #tpu.memory_space<vmem_shared>>
      %dma_start3A_21 = tpu.memref_squeeze %dma_start3A_20 : memref<1x10000xf32, #tpu.memory_space<vmem_shared>> -> memref<10000xf32, #tpu.memory_space<vmem_shared>>
      %dma_start3A_22 = arith.constant 0 : i32
      %dma_start3A_23 = tpu.memref_slice %dma_start3A_21[%dma_start3A_22] : memref<10000xf32, #tpu.memory_space<vmem_shared>> -> memref<10000xf32, #tpu.memory_space<vmem_shared>>
      tpu.enqueue_indirect_dma source(%arg8 : memref<10000xf32, #tpu.memory_space<vmem>>) target(%dma_start3A_23 : memref<10000xf32, #tpu.memory_space<vmem_shared>>) offsets(%arg7 : memref<10000xi32, #tpu.memory_space<vmem>>) semaphore(%run_scoped3A_19 : memref<!tpu.dma_semaphore, #tpu.memory_space<semaphore_mem>>) {add = true}
      %dma_wait3A = arith.constant 0 : i32
      %dma_wait3A_24 = tpu.memref_slice %arg9[%run_scoped3A_12, %dma_wait3A] : memref<4x10000xf32, #tpu.memory_space<vmem_shared>> -> memref<1x10000xf32, #tpu.memory_space<vmem_shared>>
      %dma_wait3A_25 = tpu.memref_squeeze %dma_wait3A_24 : memref<1x10000xf32, #tpu.memory_space<vmem_shared>> -> memref<10000xf32, #tpu.memory_space<vmem_shared>>
      %dma_wait3A_26 = arith.constant 0 : i32
      %dma_wait3A_27 = tpu.memref_slice %dma_wait3A_25[%dma_wait3A_26] : memref<10000xf32, #tpu.memory_space<vmem_shared>> -> memref<10000xf32, #tpu.memory_space<vmem_shared>>
      tpu.wait_indirect_dma semaphore(%run_scoped3A_19 : memref<!tpu.dma_semaphore, #tpu.memory_space<semaphore_mem>>) src(%arg8 : memref<10000xf32, #tpu.memory_space<vmem>>) dst(%dma_wait3A_27 : memref<10000xf32, #tpu.memory_space<vmem_shared>>)
      tpu.yield
    }) : () -> ()
    %barrier3A_13 = arith.constant 0 : index
    tpu.barrier barrier_id(%barrier3A_13)
    %lt3A_14 = arith.constant 8 : i32
    %lt3A_15 = arith.cmpi slt, %arg1, %lt3A_14 : i32
    %convert_element_type3A_16 = arith.extui %lt3A_15 : i1 to i32
    %cond3A_17 = arith.constant 0 : i32
    %cond3A_18 = arith.cmpi ne, %convert_element_type3A_16, %cond3A_17 : i32
    scf.if %cond3A_18 {
      %jit3A = arith.constant 2 : i32
      %div3A = arith.divsi %arg1, %jit3A : i32
      %sign3A = arith.constant 0 : i32
      %sign3A_19 = arith.cmpi sgt, %arg1, %sign3A : i32
      %sign3A_20 = arith.extui %sign3A_19 : i1 to i32
      %sign3A_21 = arith.constant 0 : i32
      %sign3A_22 = arith.cmpi slt, %arg1, %sign3A_21 : i32
      %sign3A_23 = arith.extui %sign3A_22 : i1 to i32
      %sign3A_24 = arith.subi %sign3A_20, %sign3A_23 : i32
      %sign3A_25 = arith.constant 0 : i32
      %sign3A_26 = arith.cmpi sgt, %jit3A, %sign3A_25 : i32
      %sign3A_27 = arith.extui %sign3A_26 : i1 to i32
      %sign3A_28 = arith.constant 0 : i32
      %sign3A_29 = arith.cmpi slt, %jit3A, %sign3A_28 : i32
      %sign3A_30 = arith.extui %sign3A_29 : i1 to i32
      %sign3A_31 = arith.subi %sign3A_27, %sign3A_30 : i32
      %ne3A = arith.cmpi ne, %sign3A_24, %sign3A_31 : i32
      %rem3A = arith.remsi %arg1, %jit3A : i32
      %ne3A_32 = arith.constant 0 : i32
      %ne3A_33 = arith.cmpi ne, %rem3A, %ne3A_32 : i32
      %and3A = arith.andi %ne3A, %ne3A_33 : i1
      %sub3A = arith.constant 1 : i32
      %sub3A_34 = arith.subi %div3A, %sub3A : i32
      %select_n3A = arith.select %and3A, %sub3A_34, %div3A : i32
      %jit3A_35 = arith.constant 2 : i32
      %eq3A = arith.constant 0 : i32
      %eq3A_36 = arith.cmpi eq, %jit3A_35, %eq3A : i32
      %jit3A_37 = arith.constant 1 : i32
      %select_n3A_38 = arith.select %eq3A_36, %jit3A_37, %jit3A_35 : i32
      %rem3A_39 = arith.remsi %arg1, %select_n3A_38 : i32
      %ne3A_40 = arith.constant 0 : i32
      %ne3A_41 = arith.cmpi ne, %rem3A_39, %ne3A_40 : i32
      %lt3A_42 = arith.constant 0 : i32
      %lt3A_43 = arith.cmpi slt, %rem3A_39, %lt3A_42 : i32
      %lt3A_44 = arith.constant 0 : i32
      %lt3A_45 = arith.cmpi slt, %select_n3A_38, %lt3A_44 : i32
      %ne3A_46 = arith.xori %lt3A_43, %lt3A_45 : i1
      %and3A_47 = arith.andi %ne3A_46, %ne3A_41 : i1
      %add3A_48 = arith.addi %rem3A_39, %select_n3A_38 : i32
      %select_n3A_49 = arith.select %and3A_47, %add3A_48, %rem3A_39 : i32
      %mul3A_50 = arith.constant 5000 : i32
      %mul3A_51 = arith.muli %select_n3A_49, %mul3A_50 : i32
      %eq3A_52 = arith.constant 0 : i32
      %eq3A_53 = arith.cmpi eq, %arg0, %eq3A_52 : i32
      %convert_element_type3A_54 = arith.extui %eq3A_53 : i1 to i32
      %cond3A_55 = arith.constant 0 : i32
      %cond3A_56 = arith.cmpi ne, %convert_element_type3A_54, %cond3A_55 : i32
      scf.if %cond3A_56 {
        "tpu.region"() ({
          %run_scoped3A_62 = tpu.sem_alloc : memref<!tpu.dma_semaphore, #tpu.memory_space<semaphore_mem>>
          %dma_start3A = arith.constant 0 : i32
          %dma_start3A_63 = tpu.memref_slice %arg5[%select_n3A, %dma_start3A] : memref<4x10000xf32, #tpu.memory_space<hbm>> -> memref<1x10000xf32, #tpu.memory_space<hbm>>
          %dma_start3A_64 = tpu.memref_squeeze %dma_start3A_63 : memref<1x10000xf32, #tpu.memory_space<hbm>> -> memref<10000xf32, #tpu.memory_space<hbm>>
          %dma_start3A_65 = tpu.memref_slice %dma_start3A_64[%mul3A_51] : memref<10000xf32, #tpu.memory_space<hbm>> -> memref<5000xf32, #tpu.memory_space<hbm>>
          %dma_start3A_66 = arith.constant 0 : i32
          %dma_start3A_67 = tpu.memref_slice %arg9[%select_n3A, %dma_start3A_66] : memref<4x10000xf32, #tpu.memory_space<vmem_shared>> -> memref<1x10000xf32, #tpu.memory_space<vmem_shared>>
          %dma_start3A_68 = tpu.memref_squeeze %dma_start3A_67 : memref<1x10000xf32, #tpu.memory_space<vmem_shared>> -> memref<10000xf32, #tpu.memory_space<vmem_shared>>
          %dma_start3A_69 = tpu.memref_slice %dma_start3A_68[%mul3A_51] : memref<10000xf32, #tpu.memory_space<vmem_shared>> -> memref<5000xf32, #tpu.memory_space<vmem_shared>>
          tpu.enqueue_dma source(%dma_start3A_69 : memref<5000xf32, #tpu.memory_space<vmem_shared>>) target(%dma_start3A_65 : memref<5000xf32, #tpu.memory_space<hbm>>) target_semaphore(%run_scoped3A_62 : memref<!tpu.dma_semaphore, #tpu.memory_space<semaphore_mem>>)
          %dma_wait3A = arith.constant 0 : i32
          %dma_wait3A_70 = tpu.memref_slice %arg5[%select_n3A, %dma_wait3A] : memref<4x10000xf32, #tpu.memory_space<hbm>> -> memref<1x10000xf32, #tpu.memory_space<hbm>>
          %dma_wait3A_71 = tpu.memref_squeeze %dma_wait3A_70 : memref<1x10000xf32, #tpu.memory_space<hbm>> -> memref<10000xf32, #tpu.memory_space<hbm>>
          %dma_wait3A_72 = tpu.memref_slice %dma_wait3A_71[%mul3A_51] : memref<10000xf32, #tpu.memory_space<hbm>> -> memref<5000xf32, #tpu.memory_space<hbm>>
          %dma_wait3A_73 = arith.constant 0 : i32
          %dma_wait3A_74 = tpu.memref_slice %arg9[%select_n3A, %dma_wait3A_73] : memref<4x10000xf32, #tpu.memory_space<vmem_shared>> -> memref<1x10000xf32, #tpu.memory_space<vmem_shared>>
          %dma_wait3A_75 = tpu.memref_squeeze %dma_wait3A_74 : memref<1x10000xf32, #tpu.memory_space<vmem_shared>> -> memref<10000xf32, #tpu.memory_space<vmem_shared>>
          %dma_wait3A_76 = tpu.memref_slice %dma_wait3A_75[%mul3A_51] : memref<10000xf32, #tpu.memory_space<vmem_shared>> -> memref<5000xf32, #tpu.memory_space<vmem_shared>>
          tpu.wait_dma2 semaphore(%run_scoped3A_62 : memref<!tpu.dma_semaphore, #tpu.memory_space<semaphore_mem>>) src(%dma_wait3A_76 : memref<5000xf32, #tpu.memory_space<vmem_shared>>) dst(%dma_wait3A_72 : memref<5000xf32, #tpu.memory_space<hbm>>)
          tpu.yield
        }) : () -> ()
      } else {
      }
      %eq3A_57 = arith.constant 1 : i32
      %eq3A_58 = arith.cmpi eq, %arg0, %eq3A_57 : i32
      %convert_element_type3A_59 = arith.extui %eq3A_58 : i1 to i32
      %cond3A_60 = arith.constant 0 : i32
      %cond3A_61 = arith.cmpi ne, %convert_element_type3A_59, %cond3A_60 : i32
      scf.if %cond3A_61 {
        "tpu.region"() ({
          %run_scoped3A_62 = tpu.sem_alloc : memref<!tpu.dma_semaphore, #tpu.memory_space<semaphore_mem>>
          %dma_start3A = arith.constant 0 : i32
          %dma_start3A_63 = tpu.memref_slice %arg6[%select_n3A, %dma_start3A] : memref<4x10000xf32, #tpu.memory_space<hbm>> -> memref<1x10000xf32, #tpu.memory_space<hbm>>
          %dma_start3A_64 = tpu.memref_squeeze %dma_start3A_63 : memref<1x10000xf32, #tpu.memory_space<hbm>> -> memref<10000xf32, #tpu.memory_space<hbm>>
          %dma_start3A_65 = tpu.memref_slice %dma_start3A_64[%mul3A_51] : memref<10000xf32, #tpu.memory_space<hbm>> -> memref<5000xf32, #tpu.memory_space<hbm>>
          %dma_start3A_66 = arith.constant 0 : i32
          %dma_start3A_67 = tpu.memref_slice %arg9[%select_n3A, %dma_start3A_66] : memref<4x10000xf32, #tpu.memory_space<vmem_shared>> -> memref<1x10000xf32, #tpu.memory_space<vmem_shared>>
          %dma_start3A_68 = tpu.memref_squeeze %dma_start3A_67 : memref<1x10000xf32, #tpu.memory_space<vmem_shared>> -> memref<10000xf32, #tpu.memory_space<vmem_shared>>
          %dma_start3A_69 = tpu.memref_slice %dma_start3A_68[%mul3A_51] : memref<10000xf32, #tpu.memory_space<vmem_shared>> -> memref<5000xf32, #tpu.memory_space<vmem_shared>>
          tpu.enqueue_dma source(%dma_start3A_69 : memref<5000xf32, #tpu.memory_space<vmem_shared>>) target(%dma_start3A_65 : memref<5000xf32, #tpu.memory_space<hbm>>) target_semaphore(%run_scoped3A_62 : memref<!tpu.dma_semaphore, #tpu.memory_space<semaphore_mem>>)
          %dma_wait3A = arith.constant 0 : i32
          %dma_wait3A_70 = tpu.memref_slice %arg6[%select_n3A, %dma_wait3A] : memref<4x10000xf32, #tpu.memory_space<hbm>> -> memref<1x10000xf32, #tpu.memory_space<hbm>>
          %dma_wait3A_71 = tpu.memref_squeeze %dma_wait3A_70 : memref<1x10000xf32, #tpu.memory_space<hbm>> -> memref<10000xf32, #tpu.memory_space<hbm>>
          %dma_wait3A_72 = tpu.memref_slice %dma_wait3A_71[%mul3A_51] : memref<10000xf32, #tpu.memory_space<hbm>> -> memref<5000xf32, #tpu.memory_space<hbm>>
          %dma_wait3A_73 = arith.constant 0 : i32
          %dma_wait3A_74 = tpu.memref_slice %arg9[%select_n3A, %dma_wait3A_73] : memref<4x10000xf32, #tpu.memory_space<vmem_shared>> -> memref<1x10000xf32, #tpu.memory_space<vmem_shared>>
          %dma_wait3A_75 = tpu.memref_squeeze %dma_wait3A_74 : memref<1x10000xf32, #tpu.memory_space<vmem_shared>> -> memref<10000xf32, #tpu.memory_space<vmem_shared>>
          %dma_wait3A_76 = tpu.memref_slice %dma_wait3A_75[%mul3A_51] : memref<10000xf32, #tpu.memory_space<vmem_shared>> -> memref<5000xf32, #tpu.memory_space<vmem_shared>>
          tpu.wait_dma2 semaphore(%run_scoped3A_62 : memref<!tpu.dma_semaphore, #tpu.memory_space<semaphore_mem>>) src(%dma_wait3A_76 : memref<5000xf32, #tpu.memory_space<vmem_shared>>) dst(%dma_wait3A_72 : memref<5000xf32, #tpu.memory_space<hbm>>)
          tpu.yield
        }) : () -> ()
      } else {
      }
    } else {
    }
    return
  }
}

module attributes {stable_mosaic.version = 14 : i64} {
  func.func @_node_mlp_body(%arg0: memref<4x10000xf32, #tpu.memory_space<vmem>>, %arg1: memref<4x10000xf32, #tpu.memory_space<vmem>>, %arg2: memref<10000x128xf32, #tpu.memory_space<vmem>>, %arg3: memref<128x64xf32, #tpu.memory_space<vmem>>, %arg4: memref<64x4xf32, #tpu.memory_space<vmem>>, %arg5: memref<64x1xf32, #tpu.memory_space<vmem>>, %arg6: memref<64x1xf32, #tpu.memory_space<vmem>>, %arg7: memref<1x1xf32, #tpu.memory_space<vmem>>, %arg8: memref<10000xf32, #tpu.memory_space<vmem>>) attributes {dimension_semantics = [], scalar_prefetch = 0 : i64, scratch_operands = 0 : i64, tpu.core_type = #tpu.core_type<tc>} {
    %get3A = arith.constant 0 : index
    %get3A_0 = arith.constant 0 : index
    %get3A_1 = vector.load %arg0[%get3A, %get3A_0] : memref<4x10000xf32, #tpu.memory_space<vmem>>, vector<4x10000xf32>
    %get3A_2 = arith.constant 0 : index
    %get3A_3 = arith.constant 0 : index
    %get3A_4 = vector.load %arg1[%get3A_2, %get3A_3] : memref<4x10000xf32, #tpu.memory_space<vmem>>, vector<4x10000xf32>
    %add3A = arith.addf %get3A_1, %get3A_4 : vector<4x10000xf32>
    %reduce_max3A = arith.constant dense<0xFF800000> : vector<4xf32>
    %reduce_max3A_5 = vector.multi_reduction <maximumf>, %add3A, %reduce_max3A [1] : vector<4x10000xf32> to vector<4xf32>
    %broadcast_in_dim3A = vector.shape_cast %reduce_max3A_5 : vector<4xf32> to vector<4x1xf32>
    %add3A_6 = arith.constant 1.000000e-10 : f32
    %add3A_7 = vector.broadcast %add3A_6 : f32 to vector<4x1xf32>
    %add3A_8 = arith.addf %broadcast_in_dim3A, %add3A_7 : vector<4x1xf32>
    %div3A = vector.broadcast %add3A_8 : vector<4x1xf32> to vector<4x10000xf32>
    %div3A_9 = arith.divf %add3A, %div3A : vector<4x10000xf32>
    %get3A_10 = arith.constant 0 : index
    %get3A_11 = arith.constant 0 : index
    %get3A_12 = vector.load %arg3[%get3A_10, %get3A_11] : memref<128x64xf32, #tpu.memory_space<vmem>>, vector<128x64xf32>
    %get3A_13 = arith.constant 0 : index
    %get3A_14 = arith.constant 0 : index
    %get3A_15 = vector.load %arg2[%get3A_13, %get3A_14] : memref<10000x128xf32, #tpu.memory_space<vmem>>, vector<10000x128xf32>
    %dot_general3A = arith.constant dense<0.000000e+00> : vector<64x10000xf32>
    %dot_general3A_16 = tpu.matmul %get3A_12, %get3A_15, %dot_general3A {dimension_numbers = #tpu.dot_dimension_numbers<[0], [1], [1], [0], [0, 1, 1, 0], [], []>, transpose_lhs_hint = false} : vector<128x64xf32>, vector<10000x128xf32>, vector<64x10000xf32> -> vector<64x10000xf32>
    %get3A_17 = arith.constant 0 : index
    %get3A_18 = arith.constant 0 : index
    %get3A_19 = vector.load %arg4[%get3A_17, %get3A_18] : memref<64x4xf32, #tpu.memory_space<vmem>>, vector<64x1xf32>
    %slice3A = vector.extract_strided_slice %div3A_9 {offsets = [0, 0], sizes = [1, 10000], strides = [1, 1]} : vector<4x10000xf32> to vector<1x10000xf32>
    %mul3A = vector.broadcast %get3A_19 : vector<64x1xf32> to vector<64x10000xf32>
    %mul3A_20 = vector.broadcast %slice3A : vector<1x10000xf32> to vector<64x10000xf32>
    %mul3A_21 = arith.mulf %mul3A, %mul3A_20 : vector<64x10000xf32>
    %add3A_22 = arith.addf %dot_general3A_16, %mul3A_21 : vector<64x10000xf32>
    %get3A_23 = arith.constant 0 : index
    %get3A_24 = arith.constant 1 : index
    %get3A_25 = vector.load %arg4[%get3A_23, %get3A_24] : memref<64x4xf32, #tpu.memory_space<vmem>>, vector<64x1xf32>
    %slice3A_26 = vector.extract_strided_slice %div3A_9 {offsets = [1, 0], sizes = [1, 10000], strides = [1, 1]} : vector<4x10000xf32> to vector<1x10000xf32>
    %mul3A_27 = vector.broadcast %get3A_25 : vector<64x1xf32> to vector<64x10000xf32>
    %mul3A_28 = vector.broadcast %slice3A_26 : vector<1x10000xf32> to vector<64x10000xf32>
    %mul3A_29 = arith.mulf %mul3A_27, %mul3A_28 : vector<64x10000xf32>
    %add3A_30 = arith.addf %add3A_22, %mul3A_29 : vector<64x10000xf32>
    %get3A_31 = arith.constant 0 : index
    %get3A_32 = arith.constant 2 : index
    %get3A_33 = vector.load %arg4[%get3A_31, %get3A_32] : memref<64x4xf32, #tpu.memory_space<vmem>>, vector<64x1xf32>
    %slice3A_34 = vector.extract_strided_slice %div3A_9 {offsets = [2, 0], sizes = [1, 10000], strides = [1, 1]} : vector<4x10000xf32> to vector<1x10000xf32>
    %mul3A_35 = vector.broadcast %get3A_33 : vector<64x1xf32> to vector<64x10000xf32>
    %mul3A_36 = vector.broadcast %slice3A_34 : vector<1x10000xf32> to vector<64x10000xf32>
    %mul3A_37 = arith.mulf %mul3A_35, %mul3A_36 : vector<64x10000xf32>
    %add3A_38 = arith.addf %add3A_30, %mul3A_37 : vector<64x10000xf32>
    %get3A_39 = arith.constant 0 : index
    %get3A_40 = arith.constant 3 : index
    %get3A_41 = vector.load %arg4[%get3A_39, %get3A_40] : memref<64x4xf32, #tpu.memory_space<vmem>>, vector<64x1xf32>
    %slice3A_42 = vector.extract_strided_slice %div3A_9 {offsets = [3, 0], sizes = [1, 10000], strides = [1, 1]} : vector<4x10000xf32> to vector<1x10000xf32>
    %mul3A_43 = vector.broadcast %get3A_41 : vector<64x1xf32> to vector<64x10000xf32>
    %mul3A_44 = vector.broadcast %slice3A_42 : vector<1x10000xf32> to vector<64x10000xf32>
    %mul3A_45 = arith.mulf %mul3A_43, %mul3A_44 : vector<64x10000xf32>
    %add3A_46 = arith.addf %add3A_38, %mul3A_45 : vector<64x10000xf32>
    %get3A_47 = arith.constant 0 : index
    %get3A_48 = arith.constant 0 : index
    %get3A_49 = vector.load %arg5[%get3A_47, %get3A_48] : memref<64x1xf32, #tpu.memory_space<vmem>>, vector<64x1xf32>
    %add3A_50 = vector.broadcast %get3A_49 : vector<64x1xf32> to vector<64x10000xf32>
    %add3A_51 = arith.addf %add3A_46, %add3A_50 : vector<64x10000xf32>
    %mul3A_52 = arith.constant 5.000000e-01 : f32
    %mul3A_53 = vector.broadcast %mul3A_52 : f32 to vector<64x10000xf32>
    %mul3A_54 = arith.mulf %add3A_51, %mul3A_53 : vector<64x10000xf32>
    %mul3A_55 = arith.constant 0.707106769 : f32
    %mul3A_56 = vector.broadcast %mul3A_55 : f32 to vector<64x10000xf32>
    %mul3A_57 = arith.mulf %add3A_51, %mul3A_56 : vector<64x10000xf32>
    %erf3A = math.erf %mul3A_57 : vector<64x10000xf32>
    %add3A_58 = arith.constant 1.000000e+00 : f32
    %add3A_59 = vector.broadcast %add3A_58 : f32 to vector<64x10000xf32>
    %add3A_60 = arith.addf %add3A_59, %erf3A : vector<64x10000xf32>
    %mul3A_61 = arith.mulf %mul3A_54, %add3A_60 : vector<64x10000xf32>
    %get3A_62 = arith.constant 0 : index
    %get3A_63 = arith.constant 0 : index
    %get3A_64 = vector.load %arg6[%get3A_62, %get3A_63] : memref<64x1xf32, #tpu.memory_space<vmem>>, vector<64x1xf32>
    %mul3A_65 = vector.broadcast %get3A_64 : vector<64x1xf32> to vector<64x10000xf32>
    %mul3A_66 = arith.mulf %mul3A_61, %mul3A_65 : vector<64x10000xf32>
    %reduce_sum3A = arith.constant dense<0.000000e+00> : vector<10000xf32>
    %reduce_sum3A_67 = vector.multi_reduction <add>, %mul3A_66, %reduce_sum3A [0] : vector<64x10000xf32> to vector<10000xf32>
    %broadcast_in_dim3A_68 = vector.shape_cast %reduce_sum3A_67 : vector<10000xf32> to vector<1x10000xf32>
    %get3A_69 = arith.constant 0 : index
    %get3A_70 = arith.constant 0 : index
    %get3A_71 = vector.load %arg7[%get3A_69, %get3A_70] : memref<1x1xf32, #tpu.memory_space<vmem>>, vector<1x1xf32>
    %add3A_72 = vector.broadcast %get3A_71 : vector<1x1xf32> to vector<1x10000xf32>
    %add3A_73 = arith.addf %broadcast_in_dim3A_68, %add3A_72 : vector<1x10000xf32>
    %logistic3A = arith.negf %add3A_73 : vector<1x10000xf32>
    %logistic3A_74 = math.exp %logistic3A : vector<1x10000xf32>
    %logistic3A_75 = arith.constant 1.000000e+00 : f32
    %logistic3A_76 = vector.broadcast %logistic3A_75 : f32 to vector<1x10000xf32>
    %logistic3A_77 = arith.addf %logistic3A_76, %logistic3A_74 : vector<1x10000xf32>
    %logistic3A_78 = arith.divf %logistic3A_76, %logistic3A_77 : vector<1x10000xf32>
    %squeeze3A = vector.shape_cast %logistic3A_78 : vector<1x10000xf32> to vector<10000xf32>
    %swap3A = arith.constant 0 : index
    %swap3A_79 = vector.load %arg8[%swap3A] : memref<10000xf32, #tpu.memory_space<vmem>>, vector<10000xf32>
    tpu.vector_store %arg8[%swap3A], %squeeze3A {strides = array<i32>} : memref<10000xf32, #tpu.memory_space<vmem>>, vector<10000xf32>,
    return
  }
}

module attributes {stable_mosaic.version = 14 : i64} {
  func.func @_edge_mlp_body(%arg0: i32, %arg1: memref<16x64000xf32, #tpu.memory_space<vmem>>, %arg2: memref<4x64000xf32, #tpu.memory_space<vmem>>, %arg3: memref<320000xf32, #tpu.memory_space<vmem>>, %arg4: memref<320000xf32, #tpu.memory_space<vmem>>, %arg5: memref<16x16xf32, #tpu.memory_space<vmem>>, %arg6: memref<4x16xf32, #tpu.memory_space<vmem>>, %arg7: memref<2x16xf32, #tpu.memory_space<vmem>>, %arg8: memref<16x1xf32, #tpu.memory_space<vmem>>, %arg9: memref<16x1xf32, #tpu.memory_space<vmem>>, %arg10: memref<1x1xf32, #tpu.memory_space<vmem>>, %arg11: memref<320000xf32, #tpu.memory_space<vmem>>) attributes {dimension_semantics = [#tpu.dimension_semantics<parallel>], iteration_bounds = array<i64: 5>, scalar_prefetch = 0 : i64, scratch_operands = 0 : i64, tpu.core_type = #tpu.core_type<tc>, window_params = [{transform_indices = @transform_0, window_bounds = array<i64: 16, 64000>}, {transform_indices = @transform_1, window_bounds = array<i64: 4, 64000>}, {pipeline_mode = #tpu.pipeline_mode<synchronous>, transform_indices = @transform_2, window_bounds = array<i64: 320000>}, {pipeline_mode = #tpu.pipeline_mode<synchronous>, transform_indices = @transform_3, window_bounds = array<i64: 320000>}, {pipeline_mode = #tpu.pipeline_mode<synchronous>, transform_indices = @transform_4, window_bounds = array<i64: 16, 16>}, {pipeline_mode = #tpu.pipeline_mode<synchronous>, transform_indices = @transform_5, window_bounds = array<i64: 4, 16>}, {pipeline_mode = #tpu.pipeline_mode<synchronous>, transform_indices = @transform_6, window_bounds = array<i64: 2, 16>}, {pipeline_mode = #tpu.pipeline_mode<synchronous>, transform_indices = @transform_7, window_bounds = array<i64: 16, 1>}, {pipeline_mode = #tpu.pipeline_mode<synchronous>, transform_indices = @transform_8, window_bounds = array<i64: 16, 1>}, {pipeline_mode = #tpu.pipeline_mode<synchronous>, transform_indices = @transform_9, window_bounds = array<i64: 1, 1>}, {pipeline_mode = #tpu.pipeline_mode<synchronous>, transform_indices = @transform_10, window_bounds = array<i64: 320000>}]} {
    %mul3A = arith.constant 64000 : i32
    %mul3A_0 = arith.muli %arg0, %mul3A : i32
    %get3A = arith.constant 0 : index
    %get3A_1 = arith.constant 0 : index
    %get3A_2 = vector.load %arg5[%get3A, %get3A_1] : memref<16x16xf32, #tpu.memory_space<vmem>>, vector<16x16xf32>
    %get3A_3 = arith.constant 0 : index
    %get3A_4 = arith.constant 0 : index
    %get3A_5 = vector.load %arg1[%get3A_3, %get3A_4] : memref<16x64000xf32, #tpu.memory_space<vmem>>, vector<16x64000xf32>
    %dot_general3A = arith.constant dense<0.000000e+00> : vector<16x64000xf32>
    %dot_general3A_6 = tpu.matmul %get3A_2, %get3A_5, %dot_general3A {dimension_numbers = #tpu.dot_dimension_numbers<[0], [0], [1], [1], [0, 1, 1, 1], [], []>, transpose_lhs_hint = false} : vector<16x16xf32>, vector<16x64000xf32>, vector<16x64000xf32> -> vector<16x64000xf32>
    %get3A_7 = arith.constant 0 : index
    %get3A_8 = arith.constant 0 : index
    %get3A_9 = vector.load %arg6[%get3A_7, %get3A_8] : memref<4x16xf32, #tpu.memory_space<vmem>>, vector<4x16xf32>
    %get3A_10 = arith.constant 0 : index
    %get3A_11 = arith.constant 0 : index
    %get3A_12 = vector.load %arg2[%get3A_10, %get3A_11] : memref<4x64000xf32, #tpu.memory_space<vmem>>, vector<4x64000xf32>
    %dot_general3A_13 = arith.constant dense<0.000000e+00> : vector<16x64000xf32>
    %dot_general3A_14 = tpu.matmul %get3A_9, %get3A_12, %dot_general3A_13 {dimension_numbers = #tpu.dot_dimension_numbers<[0], [0], [1], [1], [0, 1, 1, 1], [], []>, transpose_lhs_hint = false} : vector<4x16xf32>, vector<4x64000xf32>, vector<16x64000xf32> -> vector<16x64000xf32>
    %add3A = arith.addf %dot_general3A_6, %dot_general3A_14 : vector<16x64000xf32>
    %get3A_15 = arith.index_cast %mul3A_0 : i32 to index
    %get3A_16 = vector.load %arg3[%get3A_15] : memref<320000xf32, #tpu.memory_space<vmem>>, vector<64000xf32>
    %reshape3A = vector.shape_cast %get3A_16 : vector<64000xf32> to vector<1x64000xf32>
    %get3A_17 = arith.index_cast %mul3A_0 : i32 to index
    %get3A_18 = vector.load %arg4[%get3A_17] : memref<320000xf32, #tpu.memory_space<vmem>>, vector<64000xf32>
    %reshape3A_19 = vector.shape_cast %get3A_18 : vector<64000xf32> to vector<1x64000xf32>
    %concatenate3A = tpu.concatenate %reshape3A, %reshape3A_19 in 0 : vector<1x64000xf32>, vector<1x64000xf32> -> vector<2x64000xf32>
    %get3A_20 = arith.constant 0 : index
    %get3A_21 = arith.constant 0 : index
    %get3A_22 = vector.load %arg7[%get3A_20, %get3A_21] : memref<2x16xf32, #tpu.memory_space<vmem>>, vector<2x16xf32>
    %dot_general3A_23 = arith.constant dense<0.000000e+00> : vector<16x64000xf32>
    %dot_general3A_24 = tpu.matmul %get3A_22, %concatenate3A, %dot_general3A_23 {dimension_numbers = #tpu.dot_dimension_numbers<[0], [0], [1], [1], [0, 1, 1, 1], [], []>, transpose_lhs_hint = false} : vector<2x16xf32>, vector<2x64000xf32>, vector<16x64000xf32> -> vector<16x64000xf32>
    %add3A_25 = arith.addf %add3A, %dot_general3A_24 : vector<16x64000xf32>
    %get3A_26 = arith.constant 0 : index
    %get3A_27 = arith.constant 0 : index
    %get3A_28 = vector.load %arg8[%get3A_26, %get3A_27] : memref<16x1xf32, #tpu.memory_space<vmem>>, vector<16x1xf32>
    %add3A_29 = vector.broadcast %get3A_28 : vector<16x1xf32> to vector<16x64000xf32>
    %add3A_30 = arith.addf %add3A_25, %add3A_29 : vector<16x64000xf32>
    %mul3A_31 = arith.constant 5.000000e-01 : f32
    %mul3A_32 = vector.broadcast %mul3A_31 : f32 to vector<16x64000xf32>
    %mul3A_33 = arith.mulf %add3A_30, %mul3A_32 : vector<16x64000xf32>
    %mul3A_34 = arith.constant 0.707106769 : f32
    %mul3A_35 = vector.broadcast %mul3A_34 : f32 to vector<16x64000xf32>
    %mul3A_36 = arith.mulf %add3A_30, %mul3A_35 : vector<16x64000xf32>
    %erf3A = math.erf %mul3A_36 : vector<16x64000xf32>
    %add3A_37 = arith.constant 1.000000e+00 : f32
    %add3A_38 = vector.broadcast %add3A_37 : f32 to vector<16x64000xf32>
    %add3A_39 = arith.addf %add3A_38, %erf3A : vector<16x64000xf32>
    %mul3A_40 = arith.mulf %mul3A_33, %add3A_39 : vector<16x64000xf32>
    %get3A_41 = arith.constant 0 : index
    %get3A_42 = arith.constant 0 : index
    %get3A_43 = vector.load %arg9[%get3A_41, %get3A_42] : memref<16x1xf32, #tpu.memory_space<vmem>>, vector<16x1xf32>
    %dot_general3A_44 = arith.constant dense<0.000000e+00> : vector<1x64000xf32>
    %dot_general3A_45 = tpu.matmul %get3A_43, %mul3A_40, %dot_general3A_44 {dimension_numbers = #tpu.dot_dimension_numbers<[0], [0], [1], [1], [0, 1, 1, 1], [], []>, transpose_lhs_hint = false} : vector<16x1xf32>, vector<16x64000xf32>, vector<1x64000xf32> -> vector<1x64000xf32>
    %get3A_46 = arith.constant 0 : index
    %get3A_47 = arith.constant 0 : index
    %get3A_48 = vector.load %arg10[%get3A_46, %get3A_47] : memref<1x1xf32, #tpu.memory_space<vmem>>, vector<1x1xf32>
    %add3A_49 = vector.broadcast %get3A_48 : vector<1x1xf32> to vector<1x64000xf32>
    %add3A_50 = arith.addf %dot_general3A_45, %add3A_49 : vector<1x64000xf32>
    %logistic3A = arith.negf %add3A_50 : vector<1x64000xf32>
    %logistic3A_51 = math.exp %logistic3A : vector<1x64000xf32>
    %logistic3A_52 = arith.constant 1.000000e+00 : f32
    %logistic3A_53 = vector.broadcast %logistic3A_52 : f32 to vector<1x64000xf32>
    %logistic3A_54 = arith.addf %logistic3A_53, %logistic3A_51 : vector<1x64000xf32>
    %logistic3A_55 = arith.divf %logistic3A_53, %logistic3A_54 : vector<1x64000xf32>
    %squeeze3A = vector.shape_cast %logistic3A_55 : vector<1x64000xf32> to vector<64000xf32>
    %swap3A = arith.index_cast %mul3A_0 : i32 to index
    %swap3A_56 = vector.load %arg11[%swap3A] : memref<320000xf32, #tpu.memory_space<vmem>>, vector<64000xf32>
    tpu.vector_store %arg11[%swap3A], %squeeze3A {strides = array<i32>} : memref<320000xf32, #tpu.memory_space<vmem>>, vector<64000xf32>,
    return
  }
  func.func @transform_0(%arg0: i32) -> (i32, i32) {
    %c0_i32 = arith.constant 0 : i32
    %c0_i32_0 = arith.constant 0 : i32
    return %c0_i32, %arg0 : i32, i32
  }
  func.func @transform_1(%arg0: i32) -> (i32, i32) {
    %c0_i32 = arith.constant 0 : i32
    %c0_i32_0 = arith.constant 0 : i32
    return %c0_i32, %arg0 : i32, i32
  }
  func.func @transform_2(%arg0: i32) -> i32 {
    %c0_i32 = arith.constant 0 : i32
    %c0_i32_0 = arith.constant 0 : i32
    return %c0_i32 : i32
  }
  func.func @transform_3(%arg0: i32) -> i32 {
    %c0_i32 = arith.constant 0 : i32
    %c0_i32_0 = arith.constant 0 : i32
    return %c0_i32 : i32
  }
  func.func @transform_4(%arg0: i32) -> (i32, i32) {
    %c0_i32 = arith.constant 0 : i32
    %c0_i32_0 = arith.constant 0 : i32
    %c0_i32_1 = arith.constant 0 : i32
    return %c0_i32, %c0_i32_0 : i32, i32
  }
  func.func @transform_5(%arg0: i32) -> (i32, i32) {
    %c0_i32 = arith.constant 0 : i32
    %c0_i32_0 = arith.constant 0 : i32
    %c0_i32_1 = arith.constant 0 : i32
    return %c0_i32, %c0_i32_0 : i32, i32
  }
  func.func @transform_6(%arg0: i32) -> (i32, i32) {
    %c0_i32 = arith.constant 0 : i32
    %c0_i32_0 = arith.constant 0 : i32
    %c0_i32_1 = arith.constant 0 : i32
    return %c0_i32, %c0_i32_0 : i32, i32
  }
  func.func @transform_7(%arg0: i32) -> (i32, i32) {
    %c0_i32 = arith.constant 0 : i32
    %c0_i32_0 = arith.constant 0 : i32
    %c0_i32_1 = arith.constant 0 : i32
    return %c0_i32, %c0_i32_0 : i32, i32
  }
  func.func @transform_8(%arg0: i32) -> (i32, i32) {
    %c0_i32 = arith.constant 0 : i32
    %c0_i32_0 = arith.constant 0 : i32
    %c0_i32_1 = arith.constant 0 : i32
    return %c0_i32, %c0_i32_0 : i32, i32
  }
  func.func @transform_9(%arg0: i32) -> (i32, i32) {
    %c0_i32 = arith.constant 0 : i32
    %c0_i32_0 = arith.constant 0 : i32
    %c0_i32_1 = arith.constant 0 : i32
    return %c0_i32, %c0_i32_0 : i32, i32
  }
  func.func @transform_10(%arg0: i32) -> i32 {
    %c0_i32 = arith.constant 0 : i32
    %c0_i32_0 = arith.constant 0 : i32
    return %c0_i32 : i32
  }
}

</mosaic_0001>

<sc_bundles>
// kernel: kernel.6.cloned.1.call-start
scs
__scs_entry_jumppad:
0x0: {  	(pc) =	sbr.rel $0x88, $3  }
0x1: {  	(tag) =	ssettag $0x0;
	lr =	simm.s32 $0x1  }
0x2: {  	[smem:$0x3F95] =	sst lr;
	_ =	strace $0xD0000000  }
0x3: {  	_ = 	snop  }
0x4: {  	_ = 	snop  }
0x5: {  	_ = 	snop  }
0x6: {  	_ = 	snop  }
0x7: {  	_ = 	snop  }
__scs_overlays_trampoline_lowered:
0x8: {  	[smem:$0x3FA4] =	sst s0  }
0x9: {  	[smem:$0x3FA5] =	sst s1  }
0xa: {  	[smem:$0x3FA6] =	sst s2  }
0xb: {  	[smem:$0x3FA7] =	sst s3  }
0xc: {  	[smem:$0x3FA8] =	sst s4  }
0xd: {  	[smem:$0x3FA9] =	sst s5  }
0xe: {  	[smem:$0x3FAA] =	sst s6  }
0xf: {  	[smem:$0x3FAB] =	sst s7  }
0x10: {  	[smem:$0x3FAC] =	sst s8  }
0x11: {  	[smem:$0x3FAD] =	sst s9;
	s0 =	simm.s32 @!p0 $0x0  }
0x12: {  	s1 =	sld [smem:$0x3F93];
	s0 =	simm.s32 @p0 $0x1  }
0x13: {  	[smem:$0x3FAE] =	sst s0;
	s0 =	simm.s32 @!p1 $0x0  }
0x14: {  	s2 =	sld [smem:$0x3F92];
	s0 =	simm.s32 @p1 $0x1  }
0x15: {  	[smem:$0x3FAF] =	sst s0;
	s0 =	simm.s32 @!p2 $0x0  }
0x16: {  	s3 =	sld [smem:$0x3FDB];
	s0 =	simm.s32 @p2 $0x1  }
0x17: {  	s4 =	simm.s32 $0x1BF5;
	[smem:$0x3FB1] =	sst s0  }
0x18: {  	s0 =	sld [smem:$0x3F94];
	_ =	swait.ge [sflag:s4], $0x0  }
0x19: {  	s7 =	sld [smem:$0x3F95]  }
0x1a: {  	s8 =	sadd.s32 $0xFFFFE003, lr  }
0x1b: {  	s9 =	sadd.s32 $0xFFFFFEF7, lr;
	s5 =	simm.s32 $0xFFFFFFFF;
	p2 =	slt.u32 s8, $0xFFFFF086  }
0x1c: {  	p1 =	slt.u32 s9, $0xF7A;
	s5 =	simm.s32 @!p2 $0x0  }
0x1d: {  	s5 =	simm.s32 @p1 $0x1;
	p0 =	seq.s32 s7, s2  }
0x1e: {  	s7 =	smul.u32 @!p0 $0xF7A, s2;
	p2 =	seq.s32 @!p0 s5, $0x0  }
0x1f: {  	s9 =	smul.u32 $0xF7A, s1;
	s8 =	simm.s32 @!p0 $0x1BF5;
	p2 =	por !p2, p0  }
0x20: {  	[sflag:s8] =	ssyncset.s32 @!p0 $0xFFFFF086;
	s6 =	sadd.s32 @!p0 s3, s7;
	s7 =	simm.s32 @!p0 $0x108  }
0x21: {  	s3 =	sadd.s32 s3, s9;
	s6 =	sadd.s32 @!p0 $0x88, s6;
	s7 =	simm.s32 @p2 $0x1082  }
0x22: {  	[simem:s7], [sflag:s8] =	dma.local @!p0 [hbm:s6], $0xF7A  }
0x23: {  	s9 =	sor.u32 $0xD0000000, s2;
	s6 =	simm.s32 $0x108;
	_ =	swait.ge @!p0 [sflag:s8], $0x0  }
0x24: {  	s3 =	sadd.s32 $0x88, s3;
	s6 =	simm.s32 @!p1 $0x1082;
	[sflag:s4] =	ssyncset.s32 $0xFFFFF086  }
0x25: {  	[simem:s6], [sflag:s4] =	dma.local [hbm:s3], $0xF7A  }
0x26: {  	[smem:$0x3F95] =	sst s1;
	(tag) =	ssettag s2;
	_ =	strace s9  }
0x27: {  	s1 =	sld [smem:$0x3FA5]  }
0x28: {  	s2 =	sld [smem:$0x3FA6]  }
0x29: {  	s4 =	sld [smem:$0x3FA8]  }
0x2a: {  	p0 =	seq.s32 s5, $0x0;
	s5 =	sld [smem:$0x3FA9]  }
0x2b: {  	s6 =	sld [smem:$0x3FAA]  }
0x2c: {  	s7 =	sld [smem:$0x3FAB]  }
0x2d: {  	s3 =	simm.s32 $0x108;
	s8 =	sld [smem:$0x3FAC]  }
0x2e: {  	s3 =	simm.s32 @!p0 $0x1082;
	s9 =	sld [smem:$0x3FAD]  }
0x2f: {  	lr =	sadd.s32 s0, s3;
	s0 =	sld [smem:$0x3FA4]  }
0x30: {  	s3 =	sld [smem:$0x3FA7]  }
0x31: {  	[smem:$0x3FB0] =	sst s10  }
0x32: {  	s10 =	sld [smem:$0x3FAE];
	_ =	sdelay $0x3  }
0x33: {  	p0 =	seq.s32 s10, $0x1;
	s10 =	sld [smem:$0x3FB0];
	_ =	sdelay $0x3  }
0x34: {  	[smem:$0x3FB0] =	sst s10  }
0x35: {  	s10 =	sld [smem:$0x3FAF];
	_ =	sdelay $0x3  }
0x36: {  	p1 =	seq.s32 s10, $0x1;
	s10 =	sld [smem:$0x3FB0];
	_ =	sdelay $0x3  }
0x37: {  	[smem:$0x3FB0] =	sst s10  }
0x38: {  	s10 =	sld [smem:$0x3FB1]  }
0x39: {  	_ = 	snop;
	(pc) =	sbr.ind lr, $3  }
0x3a: {  	_ = 	snop  }
0x3b: {  	_ = 	snop  }
0x3c: {  	p2 =	seq.s32 s10, $0x1;
	s10 =	sld [smem:$0x3FB0]  }
0x3d: {  	_ =	shalt  }
0x3e: {  	_ =	shalt  }
0x3f: {  	_ =	shalt  }
0x40: {  	_ =	shalt  }
0x41: {  	_ =	shalt  }
0x42: {  	_ =	shalt  }
0x43: {  	_ =	shalt  }
0x44: {  	_ =	shalt  }
0x45: {  	_ =	shalt  }
0x46: {  	_ =	shalt  }
0x47: {  	_ =	shalt  }
0x48: {  	_ =	shalt  }
0x49: {  	_ =	shalt  }
0x4a: {  	_ =	shalt  }
0x4b: {  	_ =	shalt  }
0x4c: {  	_ =	shalt  }
0x4d: {  	_ =	shalt  }
0x4e: {  	_ =	shalt  }
0x4f: {  	_ =	shalt  }
0x50: {  	_ =	shalt  }
0x51: {  	_ =	shalt  }
0x52: {  	_ =	shalt  }
0x53: {  	_ =	shalt  }
0x54: {  	_ =	shalt  }
0x55: {  	_ =	shalt  }
0x56: {  	_ =	shalt  }
0x57: {  	_ =	shalt  }
0x58: {  	_ =	shalt  }
0x59: {  	_ =	shalt  }
0x5a: {  	_ =	shalt  }
0x5b: {  	_ =	shalt  }
0x5c: {  	_ =	shalt  }
0x5d: {  	_ =	shalt  }
0x5e: {  	_ =	shalt  }
0x5f: {  	_ =	shalt  }
0x60: {  	_ =	shalt  }
0x61: {  	_ =	shalt  }
0x62: {  	_ =	shalt  }
0x63: {  	_ =	shalt  }
0x64: {  	_ =	shalt  }
0x65: {  	_ =	shalt  }
0x66: {  	_ =	shalt  }
0x67: {  	_ =	shalt  }
0x68: {  	_ =	shalt  }
0x69: {  	_ =	shalt  }
0x6a: {  	_ =	shalt  }
0x6b: {  	_ =	shalt  }
0x6c: {  	_ =	shalt  }
0x6d: {  	_ =	shalt  }
0x6e: {  	_ =	shalt  }
0x6f: {  	_ =	shalt  }
0x70: {  	_ =	shalt  }
0x71: {  	_ =	shalt  }
0x72: {  	_ =	shalt  }
0x73: {  	_ =	shalt  }
0x74: {  	_ =	shalt  }
0x75: {  	_ =	shalt  }
0x76: {  	_ =	shalt  }
0x77: {  	_ =	shalt  }
0x78: {  	_ =	shalt  }
0x79: {  	_ =	shalt  }
0x7a: {  	_ =	shalt  }
0x7b: {  	_ =	shalt  }
0x7c: {  	_ =	shalt  }
0x7d: {  	_ =	shalt  }
0x7e: {  	_ =	shalt  }
0x7f: {  	_ =	shalt  }
0x80: {  	_ =	shalt  }
0x81: {  	_ =	shalt  }
0x82: {  	_ =	shalt  }
0x83: {  	_ =	shalt  }
0x84: {  	_ =	shalt  }
0x85: {  	_ =	shalt  }
0x86: {  	_ =	shalt  }
0x87: {  	_ =	shalt  }
.Lfunc_end0:
.L_simem_size_0:
called_computation_lowered:
.L_overlay_start_0:
0x88: {  	s2 =	sld [smem:$0x3FD9]  }
0x89: {  	s3 =	sld [smem:$0x3FFE];
	_ =	sdelay $0x1  }
0x8a: {  	s1 =	srdreg.scid  }
0x8b: {  	s0 =	sand.u32 $0x1, s1  }
0x8c: {  	s14 =	sshll.u32 s0, $0xA;
	s2 =	sadd.s32 s3, s2  }
0x8d: {  	s2 =	sadd.s32 s2, s14  }
0x8e: {  	[smem:$0x3FBC] =	sst s2  }
0x8f: {  	_ = 	snop  }
0x90: {  	s2 =	sld [smem:$0x3FD0];
	_ =	sdelay $0x2  }
0x91: {  	s15 =	simm.s32 $0xA;
	s4 =	simm.s32 $0x10  }
0x92: {  	[smem:s4], [sflag:s15] =	dma.local [hbm:s2], $0x1  }
0x93: {  	_ =	swait.eq [sflag:s15], $0x1  }
0x94: {  	[sflag:s15] =	ssyncset.done $0x0  }
0x95: {  	[sflag:s15] =	ssyncadd.s32 $0xFFFFFFFF  }
0x96: {  	s16 =	sld [smem:$0x11];
	(tm) =	ssettm $0x1  }
0x97: {  	s17 =	sld [smem:$0x3FFB];
	_ =	sdelay $0x3  }
0x98: {  	_ =	strace s17  }
0x99: {  	s3 =	sld [smem:$0x3FFC];
	_ =	sdelay $0x3  }
0x9a: {  	_ =	strace s3  }
0x9b: {  	s3 =	sld [smem:$0x3FFD];
	_ =	sdelay $0x3  }
0x9c: {  	_ =	strace s3  }
0x9d: {  	_ =	strace $0x8FFFFFFF  }
0x9e: {  	s18 =	sld [smem:$0x3FDB];
	_ =	sdelay $0x1  }
0x9f: {  	s19 =	simm.s32 $_scs_section_size  }
0xa0: {  	s5 =	simm.s32 $_size__tile_overlayer_lowered;
	s6 =	simm.s32 $_tile_overlayer_lowered  }
0xa1: {  	s22 =	simm.s32 $0x1BFF;
	s21 =	sshll.u32 s6, $0x1;
	s3 =	sadd.s32 s19, s18  }
0xa2: {  	s7 =	simm.s32 $0x0;
	s20 =	sshll.u32 s5, $0x1;
	s5 =	sadd.s32 s21, s3  }
0xa3: {  	[timem:s7], [sflag:s22] =	dma.local [hbm:s5], s20  }
0xa4: {  	_ =	swait.ge [sflag:s22], s20  }
0xa5: {  	s4 =	ssub.s32 $0x0, s20;
	[sflag:s22] =	ssyncset.done $0x0  }
0xa6: {  	[sflag:s22] =	ssyncadd.s32 s4;
	_ =	sdelay $0x1  }
0xa7: {  	s23 =	simm.s32 $0x1B8B  }
0xa8: {  	_ =	swait.ge [sflag:s23], $0x1  }
0xa9: {  	[sflag:s23] =	ssyncset.done $0x0  }
0xaa: {  	s25 =	simm.s32 $0x1B8E;
	s24 =	sld [smem:$0x3FFE];
	[sflag:s23] =	ssyncadd.s32 $0xFFFFFFFF  }
0xab: {  	s26 =	simm.s32 $execute0_lowered;
	[smem:$0x3FD2] =	sst s25  }
0xac: {  	s5 =	sshll.u32 s26, $0x1;
	_ =	strace $0x80000046;
	[dreg:$0x1] =	wrdreg $0xFFFFFFFF  }
0xad: {  	s28 =	simm.s32 $_size_execute0_lowered;
	s3 =	sadd.s32 s3, s5;
	[dreg:$0x0] =	wrdreg $0x0  }
0xae: {  	s5 =	sshll.u32 s28, $0x1;
	[dreg:$0x2] =	wrdreg s3  }
0xaf: {  	[dreg:$0x3] =	wrdreg s5  }
0xb0: {  	[dreg:$0x4] =	wrdreg $0xC0  }
0xb1: {  	_ =	task [dreg:s7], $0x5FFFF  }
0xb2: {  	[dreg:$0x1] =	wrdreg $0xFFFFFFFF  }
0xb3: {  	[dreg:$0x0] =	wrdreg $0x60  }
0xb4: {  	[dreg:$0x2] =	wrdreg s24  }
0xb5: {  	[dreg:$0x3] =	wrdreg s16  }
0xb6: {  	[dreg:$0x4] =	wrdreg $0x4E200  }
0xb7: {  	[dreg:$0x5] =	wrdreg $0x9  }
0xb8: {  	_ =	task.clear_ibuf [dreg:s7], $0x6FFFF;
	_ =	strace $0x90000046  }
0xb9: {  	s29 =	simm.s32 $0x9;
	_ =	strace $0x80000048  }
0xba: {  	_ =	swait.ge [sflag:s29], $0x1  }
0xbb: {  	[sflag:s29] =	ssyncadd.s32 $0xFFFFFFFF  }
0xbc: {  	_ =	strace $0x90000048  }
0xbd: {  	_ =	sfence  }
0xbe: {  	s30 =	sld [smem:$0x0];
	_ =	sdelay $0x2  }
0xbf: {  	s31 =	sshll.u32 s1, $0xD;
	s1 =	sshrl.u32 s1, $0x2  }
0xc0: {  	s3 =	sand.u32 $0x4000, s31;
	s1 =	sadd.s32 s1, s30  }
0xc1: {  	s0 =	sor.u32 s3, s0;
	s1 =	sshll.u32 s1, $0x11  }
0xc2: {  	s0 =	sor.u32 s1, s0  }
0xc3: {  	s0 =	sadd.s32 $0x8F2B, s0  }
0xc4: {  	[sflag:s0] =	ssyncadd.remote.s32 $0x1  }
0xc5: {  	_ =	sfence.sel $0xFFFF  }
0xc6: {  	[dreg:$0x0] =	wrdreg $0xFFFFFFFF;
	(pc) =	sbr.abs _section_cstart, $3  }
0xc7: {  	[dreg:$0x1] =	wrdreg $0xFFFFFFFF  }
0xc8: {  	_ =	task.clear_ibuf [dreg:s7], $0x2FFFF;
	_ =	strace $0x9FFFFFFF  }
0xc9: {  	(tm) =	ssettm $0x7FFFFFFF  }
tec
execute0_lowered:
.L_overlay_start_1:
0x0: {  	(tag) =	ssettag $0x1  }
0x1: {  	s18 =	rddreg [dreg:$0x0]  }
0x2: {  	s4 =	rddreg [dreg:$0x1]  }
0x3: {  	s2 =	rddreg [dreg:$0x2]  }
0x4: {  	s0 =	rddreg [dreg:$0x3];
	s3 =	simm.s32 $0x0;
	s5 =	srdreg.scid  }
0x5: {  	s1 =	stileid.u32;
	[smem:$0x7FF] =	sst s3  }
0x6: {  	s20 =	sand.u32 $0x1, s5;
	s28 =	sshrl.u32 s1, $0x1;
	s7 =	sand.u32 $0x1, s1  }
0x7: {  	_ =	strace $0x80000047;
	s6 =	sshll.u32 s20, $0x4;
	s5 =	smul.u32 $0x2710, s28  }
0x8: {  	p0 =	seq.s32 s7, $0x1;
	s8 =	sor.u32 s1, s6;
	s6 =	simm.s32 $0x1388  }
0x9: {  	s29 =	sadd.s32 s5, s2;
	s6 =	simm.s32 @!p0 $0x0;
	s21 =	sshrl.u32 s5, $0x3  }
0xa: {  	p0 =	sgt.u32 s1, $0x7;
	s4 =	sadd.s32 s4, s21;
	s19 =	sshrl.u32 s6, $0x3  }
0xb: {  	s7 =	sadd.s32 s6, s29;
	s5 =	sadd.s32 @!p0 s19, s4;
	s4 =	sshll.u32 @!p0 s1, $0x6  }
0xc: {  	s7 =	sshrl.u32 @!p0 s7, $0x3;
	s6 =	sor.u32 @!p0 $0x1C01, s4;
	s4 =	simm.s32 @!p0 $0x1  }
0xd: {  	[spmem:s7], [sflag:s6] =	dma.local @!p0 [hbm:s5], $0x271  }
0xe: {  	s16 =	smul.u32 $0x4E2, s8;
	_ =	swait.ge @!p0 [sflag:s4], $0x271  }
0xf: {  	s30 =	sadd.s32 $0x34440, s18;
	[sflag:s4] =	ssyncset.done @!p0 $0x0  }
0x10: {  	s9 =	simm.s32 $0x1;
	s8 =	sadd.s32 s16, s30;
	[sflag:s4] =	ssyncadd.s32 @!p0 $0xFFFFFD8F  }
0x11: {  	[tilespmem:s3], [sflag:$0x1] =	stream.linear.gather [hbm4b:s8+s3], $0x2710, $0x38;
	[tilespmem:$0x57E8] =	vst v63  }
0x12: {  	_ =	swait.ge [sflag:s9], $0x2710  }
0x13: {  	[sflag:s9] =	ssyncset.done $0x0  }
0x14: {  	s10 =	sadd.s32 s16, s18;
	[sflag:s9] =	ssyncadd.s32 $0xFFFFD8F0  }
0x15: {  	s11 =	simm.s32 $0x2710;
	s10 =	sadd.s32 $0x3600, s10;
	[bflag:$0x0] =	sbarrier.arrive $0xFFFF  }
0x16: {  	[tilespmem:s11], [sflag:$0x1] =	stream.linear.gather [hbm4b:s10+s3], $0x2710, $0x38;
	[tilespmem:$0x57E8] =	vst v63  }
0x17: {  	_ =	swait.ge [sflag:s9], $0x2710  }
0x18: {  	[sflag:s9] =	ssyncset.done $0x0  }
0x19: {  	[sflag:s9] =	ssyncadd.s32 $0xFFFFD8F0  }
0x1a: {  	[spmem:s2] =	stream.indirect.scatter.add.f32 [tilespmem:s11], [sflag:$0x1], $0x1, s3, s11, $0xb8;
	[tilespmem:$0x57E8] =	vst v63  }
0x1b: {  	_ =	swait.ge [sflag:s9], $0x2710  }
0x1c: {  	s12 =	sadd.s32 $0xD240, s18;
	[sflag:s9] =	ssyncset.done $0x0  }
0x1d: {  	s12 =	sadd.s32 s16, s12;
	[sflag:s9] =	ssyncadd.s32 $0xFFFFD8F0  }
0x1e: {  	[tilespmem:s11], [sflag:$0x1] =	stream.linear.gather [hbm4b:s12+s3], $0x2710, $0x38;
	[tilespmem:$0x57E8] =	vst v63  }
0x1f: {  	_ =	swait.ge [sflag:s9], $0x2710  }
0x20: {  	[sflag:s9] =	ssyncset.done $0x0  }
0x21: {  	s13 =	sadd.s32 $0x2710, s2;
	[sflag:s9] =	ssyncadd.s32 $0xFFFFD8F0  }
0x22: {  	[spmem:s13] =	stream.indirect.scatter.add.f32 [tilespmem:s11], [sflag:$0x1], $0x1, s3, s11, $0xb8;
	[tilespmem:$0x57E8] =	vst v63  }
0x23: {  	_ =	swait.ge [sflag:s9], $0x2710  }
0x24: {  	s14 =	sadd.s32 $0x16E80, s18;
	[sflag:s9] =	ssyncset.done $0x0  }
0x25: {  	s14 =	sadd.s32 s16, s14;
	[sflag:s9] =	ssyncadd.s32 $0xFFFFD8F0  }
0x26: {  	[tilespmem:s11], [sflag:$0x1] =	stream.linear.gather [hbm4b:s14+s3], $0x2710, $0x38;
	[tilespmem:$0x57E8] =	vst v63  }
0x27: {  	_ =	swait.ge [sflag:s9], $0x2710  }
0x28: {  	[sflag:s9] =	ssyncset.done $0x0  }
0x29: {  	s15 =	sadd.s32 $0x4E20, s2;
	[sflag:s9] =	ssyncadd.s32 $0xFFFFD8F0  }
0x2a: {  	[spmem:s15] =	stream.indirect.scatter.add.f32 [tilespmem:s11], [sflag:$0x1], $0x1, s3, s11, $0xb8;
	[tilespmem:$0x57E8] =	vst v63  }
0x2b: {  	s17 =	sadd.s32 $0x20AC0, s18;
	s22 =	ssub.s32 $0x2, s20;
	_ =	swait.ge [sflag:s9], $0x2710  }
0x2c: {  	p1 =	seq.s32 s20, $0x1;
	s20 =	simm.s32 $0x3E200;
	[sflag:s9] =	ssyncset.done $0x0  }
0x2d: {  	s23 =	sshrl.u32 s22, $0x1;
	s16 =	sadd.s32 s16, s17;
	[sflag:s9] =	ssyncadd.s32 $0xFFFFD8F0  }
0x2e: {  	[tilespmem:s11], [sflag:$0x1] =	stream.linear.gather [hbm4b:s16+s3], $0x2710, $0x38;
	[tilespmem:$0x57E8] =	vst v63  }
0x2f: {  	s20 =	simm.s32 @!p1 $0x3F600;
	s22 =	ssub.s32 s22, s23;
	_ =	swait.ge [sflag:s9], $0x2710  }
0x30: {  	s31 =	smax.u32 s22, $0x1;
	s18 =	sadd.s32 s20, s18;
	[sflag:s9] =	ssyncset.done $0x0  }
0x31: {  	s17 =	sadd.s32 $0x7530, s2;
	s18 =	sadd.s32 s18, s21;
	[sflag:s9] =	ssyncadd.s32 $0xFFFFD8F0  }
0x32: {  	[spmem:s17] =	stream.indirect.scatter.add.f32 [tilespmem:s11], [sflag:$0x1], $0x1, s3, s11, $0xb8;
	[tilespmem:$0x57E8] =	vst v63  }
0x33: {  	s18 =	sadd.s32 @!p0 s19, s18;
	s19 =	sadd.s32 $0xFFFFFFFF, s31;
	_ =	swait.ge [sflag:s9], $0x2710  }
0x34: {  	p1 =	sne.s32 s19, $0x0;
	[sflag:s9] =	ssyncset.done $0x0  }
.Ltmp0:
0x35: {  	[sflag:s9] =	ssyncadd.s32 $0xFFFFD8F0;
	(pc) =	sbr.rel @!p1 .LBB2_2-.Ltmp0, $4  }
0x36: {  	[bflag:$0x0] =	sbarrier.arrive $0xFFFF  }
0x37: {  	[hbm:s18], [sflag:s6] =	dma.local @!p0 [spmem:s7], $0x271  }
0x38: {  	_ =	swait.ge @!p0 [sflag:s4], $0x271  }
0x39: {  	[sflag:s4] =	ssyncset.done @!p0 $0x0  }
.LBB2_1:
0x3a: {  	s19 =	sadd.s32 $0xFFFFFFFF, s19;
	[sflag:s4] =	ssyncadd.s32 @!p0 $0xFFFFFD8F  }
0x3b: {  	[spmem:s7], [sflag:s6] =	dma.local @!p0 [hbm:s5], $0x271  }
0x3c: {  	p1 =	sne.s32 s19, $0x0;
	_ =	swait.ge @!p0 [sflag:s4], $0x271  }
0x3d: {  	[sflag:s4] =	ssyncset.done @!p0 $0x0  }
0x3e: {  	[sflag:s4] =	ssyncadd.s32 @!p0 $0xFFFFFD8F  }
0x3f: {  	[tilespmem:s3], [sflag:$0x1] =	stream.linear.gather [hbm4b:s8+s3], $0x2710, $0x38;
	[tilespmem:$0x57E8] =	vst v63  }
0x40: {  	_ =	swait.ge [sflag:s9], $0x2710  }
0x41: {  	[sflag:s9] =	ssyncset.done $0x0  }
0x42: {  	[sflag:s9] =	ssyncadd.s32 $0xFFFFD8F0  }
0x43: {  	[bflag:$0x0] =	sbarrier.arrive $0xFFFF  }
0x44: {  	[tilespmem:s11], [sflag:$0x1] =	stream.linear.gather [hbm4b:s10+s3], $0x2710, $0x38;
	[tilespmem:$0x57E8] =	vst v63  }
0x45: {  	_ =	swait.ge [sflag:s9], $0x2710  }
0x46: {  	[sflag:s9] =	ssyncset.done $0x0  }
0x47: {  	[sflag:s9] =	ssyncadd.s32 $0xFFFFD8F0  }
0x48: {  	[spmem:s2] =	stream.indirect.scatter.add.f32 [tilespmem:s11], [sflag:$0x1], $0x1, s3, s11, $0xb8;
	[tilespmem:$0x57E8] =	vst v63  }
0x49: {  	_ =	swait.ge [sflag:s9], $0x2710  }
0x4a: {  	[sflag:s9] =	ssyncset.done $0x0  }
0x4b: {  	[sflag:s9] =	ssyncadd.s32 $0xFFFFD8F0  }
0x4c: {  	[tilespmem:s11], [sflag:$0x1] =	stream.linear.gather [hbm4b:s12+s3], $0x2710, $0x38;
	[tilespmem:$0x57E8] =	vst v63  }
0x4d: {  	_ =	swait.ge [sflag:s9], $0x2710  }
0x4e: {  	[sflag:s9] =	ssyncset.done $0x0  }
0x4f: {  	[sflag:s9] =	ssyncadd.s32 $0xFFFFD8F0  }
0x50: {  	[spmem:s13] =	stream.indirect.scatter.add.f32 [tilespmem:s11], [sflag:$0x1], $0x1, s3, s11, $0xb8;
	[tilespmem:$0x57E8] =	vst v63  }
0x51: {  	_ =	swait.ge [sflag:s9], $0x2710  }
0x52: {  	[sflag:s9] =	ssyncset.done $0x0  }
0x53: {  	[sflag:s9] =	ssyncadd.s32 $0xFFFFD8F0  }
0x54: {  	[tilespmem:s11], [sflag:$0x1] =	stream.linear.gather [hbm4b:s14+s3], $0x2710, $0x38;
	[tilespmem:$0x57E8] =	vst v63  }
0x55: {  	_ =	swait.ge [sflag:s9], $0x2710  }
0x56: {  	[sflag:s9] =	ssyncset.done $0x0  }
0x57: {  	[sflag:s9] =	ssyncadd.s32 $0xFFFFD8F0  }
0x58: {  	[spmem:s15] =	stream.indirect.scatter.add.f32 [tilespmem:s11], [sflag:$0x1], $0x1, s3, s11, $0xb8;
	[tilespmem:$0x57E8] =	vst v63  }
0x59: {  	_ =	swait.ge [sflag:s9], $0x2710  }
0x5a: {  	[sflag:s9] =	ssyncset.done $0x0  }
0x5b: {  	[sflag:s9] =	ssyncadd.s32 $0xFFFFD8F0  }
0x5c: {  	[tilespmem:s11], [sflag:$0x1] =	stream.linear.gather [hbm4b:s16+s3], $0x2710, $0x38;
	[tilespmem:$0x57E8] =	vst v63  }
0x5d: {  	_ =	swait.ge [sflag:s9], $0x2710  }
0x5e: {  	[sflag:s9] =	ssyncset.done $0x0  }
0x5f: {  	[sflag:s9] =	ssyncadd.s32 $0xFFFFD8F0  }
0x60: {  	[spmem:s17] =	stream.indirect.scatter.add.f32 [tilespmem:s11], [sflag:$0x1], $0x1, s3, s11, $0xb8;
	[tilespmem:$0x57E8] =	vst v63  }
0x61: {  	_ =	swait.ge [sflag:s9], $0x2710  }
0x62: {  	[sflag:s9] =	ssyncset.done $0x0  }
.Ltmp1:
0x63: {  	[sflag:s9] =	ssyncadd.s32 $0xFFFFD8F0;
	(pc) =	sbr.rel @p1 .LBB2_1-.Ltmp1, $4  }
0x64: {  	[bflag:$0x0] =	sbarrier.arrive $0xFFFF  }
0x65: {  	[hbm:s18], [sflag:s6] =	dma.local @!p0 [spmem:s7], $0x271  }
0x66: {  	_ =	swait.ge @!p0 [sflag:s4], $0x271  }
0x67: {  	[sflag:s4] =	ssyncset.done @!p0 $0x0  }
.LBB2_2:
0x68: {  	[sflag:s4] =	ssyncadd.s32 @!p0 $0xFFFFFD8F  }
0x69: {  	_ =	sfence.sel $0x180000  }
0x6a: {  	[bflag:$0x0] =	sbarrier.arrive $0xFFFF  }
0x6b: {  	p0 =	sne.s32 s1, $0x0;
	_ =	strace $0x90000047  }
0x6c: {  	s0 =	sadd.s32 @!p0 $0x100000, s0;
	[bflag:$0x2] =	sbarrier.arrive $0xFFFF  }
0x6d: {  	[sflag:s0] =	ssyncadd.tile.s32 @!p0 $0x1;
	_ =	shalt  }
.Lfunc_end2:
_tile_overlayer_lowered:
.L_overlay_start_2:
0x6e: {  	(tag) =	ssettag $0x2  }
0x6f: {  	s0 =	rddreg [dreg:$0x0];
	s2 =	stileid.u32  }
0x70: {  	s1 =	rddreg [dreg:$0x1];
	p0 =	sne.s32 s2, $0x0  }
0x71: {  	s3 =	rddreg [dreg:$0x2];
	[bflag:$0x3] =	sbarrier.arrive $0xFFFF;
	s2 =	simm.s32 @!p0 $0x1C01  }
0x72: {  	[timem:s3], [sflag:s2] =	dma.local @!p0 [hbm:s0], s1  }
0x73: {  	s0 =	simm.s32 @!p0 $0x1  }
0x74: {  	_ =	swait.ge @!p0 [sflag:s0], s1  }
0x75: {  	s1 =	ssub.s32 @!p0 $0x0, s1;
	[sflag:s0] =	ssyncset.done @!p0 $0x0  }
0x76: {  	[sflag:s0] =	ssyncadd.s32 @!p0 s1  }
0x77: {  	[bflag:$0x3] =	sbarrier.arrive $0xFFFF  }
0x78: {  	_ =	shalt  }

// kernel: kernel.9.cloned.1.call-start
scs
__scs_entry_jumppad:
0x0: {  	(pc) =	sbr.rel $0x88, $3  }
0x1: {  	(tag) =	ssettag $0x0;
	lr =	simm.s32 $0x1  }
0x2: {  	[smem:$0x3F95] =	sst lr;
	_ =	strace $0xD0000000  }
0x3: {  	_ = 	snop  }
0x4: {  	_ = 	snop  }
0x5: {  	_ = 	snop  }
0x6: {  	_ = 	snop  }
0x7: {  	_ = 	snop  }
__scs_overlays_trampoline_lowered:
0x8: {  	[smem:$0x3FA4] =	sst s0  }
0x9: {  	[smem:$0x3FA5] =	sst s1  }
0xa: {  	[smem:$0x3FA6] =	sst s2  }
0xb: {  	[smem:$0x3FA7] =	sst s3  }
0xc: {  	[smem:$0x3FA8] =	sst s4  }
0xd: {  	[smem:$0x3FA9] =	sst s5  }
0xe: {  	[smem:$0x3FAA] =	sst s6  }
0xf: {  	[smem:$0x3FAB] =	sst s7  }
0x10: {  	[smem:$0x3FAC] =	sst s8  }
0x11: {  	[smem:$0x3FAD] =	sst s9;
	s0 =	simm.s32 @!p0 $0x0  }
0x12: {  	s1 =	sld [smem:$0x3F93];
	s0 =	simm.s32 @p0 $0x1  }
0x13: {  	[smem:$0x3FAE] =	sst s0;
	s0 =	simm.s32 @!p1 $0x0  }
0x14: {  	s2 =	sld [smem:$0x3F92];
	s0 =	simm.s32 @p1 $0x1  }
0x15: {  	[smem:$0x3FAF] =	sst s0;
	s0 =	simm.s32 @!p2 $0x0  }
0x16: {  	s3 =	sld [smem:$0x3FDB];
	s0 =	simm.s32 @p2 $0x1  }
0x17: {  	s4 =	simm.s32 $0x1BF5;
	[smem:$0x3FB1] =	sst s0  }
0x18: {  	s0 =	sld [smem:$0x3F94];
	_ =	swait.ge [sflag:s4], $0x0  }
0x19: {  	s7 =	sld [smem:$0x3F95]  }
0x1a: {  	s8 =	sadd.s32 $0xFFFFE003, lr  }
0x1b: {  	s9 =	sadd.s32 $0xFFFFFEF7, lr;
	s5 =	simm.s32 $0xFFFFFFFF;
	p2 =	slt.u32 s8, $0xFFFFF086  }
0x1c: {  	p1 =	slt.u32 s9, $0xF7A;
	s5 =	simm.s32 @!p2 $0x0  }
0x1d: {  	s5 =	simm.s32 @p1 $0x1;
	p0 =	seq.s32 s7, s2  }
0x1e: {  	s7 =	smul.u32 @!p0 $0xF7A, s2;
	p2 =	seq.s32 @!p0 s5, $0x0  }
0x1f: {  	s9 =	smul.u32 $0xF7A, s1;
	s8 =	simm.s32 @!p0 $0x1BF5;
	p2 =	por !p2, p0  }
0x20: {  	[sflag:s8] =	ssyncset.s32 @!p0 $0xFFFFF086;
	s6 =	sadd.s32 @!p0 s3, s7;
	s7 =	simm.s32 @!p0 $0x108  }
0x21: {  	s3 =	sadd.s32 s3, s9;
	s6 =	sadd.s32 @!p0 $0x88, s6;
	s7 =	simm.s32 @p2 $0x1082  }
0x22: {  	[simem:s7], [sflag:s8] =	dma.local @!p0 [hbm:s6], $0xF7A  }
0x23: {  	s9 =	sor.u32 $0xD0000000, s2;
	s6 =	simm.s32 $0x108;
	_ =	swait.ge @!p0 [sflag:s8], $0x0  }
0x24: {  	s3 =	sadd.s32 $0x88, s3;
	s6 =	simm.s32 @!p1 $0x1082;
	[sflag:s4] =	ssyncset.s32 $0xFFFFF086  }
0x25: {  	[simem:s6], [sflag:s4] =	dma.local [hbm:s3], $0xF7A  }
0x26: {  	[smem:$0x3F95] =	sst s1;
	(tag) =	ssettag s2;
	_ =	strace s9  }
0x27: {  	s1 =	sld [smem:$0x3FA5]  }
0x28: {  	s2 =	sld [smem:$0x3FA6]  }
0x29: {  	s4 =	sld [smem:$0x3FA8]  }
0x2a: {  	p0 =	seq.s32 s5, $0x0;
	s5 =	sld [smem:$0x3FA9]  }
0x2b: {  	s6 =	sld [smem:$0x3FAA]  }
0x2c: {  	s7 =	sld [smem:$0x3FAB]  }
0x2d: {  	s3 =	simm.s32 $0x108;
	s8 =	sld [smem:$0x3FAC]  }
0x2e: {  	s3 =	simm.s32 @!p0 $0x1082;
	s9 =	sld [smem:$0x3FAD]  }
0x2f: {  	lr =	sadd.s32 s0, s3;
	s0 =	sld [smem:$0x3FA4]  }
0x30: {  	s3 =	sld [smem:$0x3FA7]  }
0x31: {  	[smem:$0x3FB0] =	sst s10  }
0x32: {  	s10 =	sld [smem:$0x3FAE];
	_ =	sdelay $0x3  }
0x33: {  	p0 =	seq.s32 s10, $0x1;
	s10 =	sld [smem:$0x3FB0];
	_ =	sdelay $0x3  }
0x34: {  	[smem:$0x3FB0] =	sst s10  }
0x35: {  	s10 =	sld [smem:$0x3FAF];
	_ =	sdelay $0x3  }
0x36: {  	p1 =	seq.s32 s10, $0x1;
	s10 =	sld [smem:$0x3FB0];
	_ =	sdelay $0x3  }
0x37: {  	[smem:$0x3FB0] =	sst s10  }
0x38: {  	s10 =	sld [smem:$0x3FB1]  }
0x39: {  	_ = 	snop;
	(pc) =	sbr.ind lr, $3  }
0x3a: {  	_ = 	snop  }
0x3b: {  	_ = 	snop  }
0x3c: {  	p2 =	seq.s32 s10, $0x1;
	s10 =	sld [smem:$0x3FB0]  }
0x3d: {  	_ =	shalt  }
0x3e: {  	_ =	shalt  }
0x3f: {  	_ =	shalt  }
0x40: {  	_ =	shalt  }
0x41: {  	_ =	shalt  }
0x42: {  	_ =	shalt  }
0x43: {  	_ =	shalt  }
0x44: {  	_ =	shalt  }
0x45: {  	_ =	shalt  }
0x46: {  	_ =	shalt  }
0x47: {  	_ =	shalt  }
0x48: {  	_ =	shalt  }
0x49: {  	_ =	shalt  }
0x4a: {  	_ =	shalt  }
0x4b: {  	_ =	shalt  }
0x4c: {  	_ =	shalt  }
0x4d: {  	_ =	shalt  }
0x4e: {  	_ =	shalt  }
0x4f: {  	_ =	shalt  }
0x50: {  	_ =	shalt  }
0x51: {  	_ =	shalt  }
0x52: {  	_ =	shalt  }
0x53: {  	_ =	shalt  }
0x54: {  	_ =	shalt  }
0x55: {  	_ =	shalt  }
0x56: {  	_ =	shalt  }
0x57: {  	_ =	shalt  }
0x58: {  	_ =	shalt  }
0x59: {  	_ =	shalt  }
0x5a: {  	_ =	shalt  }
0x5b: {  	_ =	shalt  }
0x5c: {  	_ =	shalt  }
0x5d: {  	_ =	shalt  }
0x5e: {  	_ =	shalt  }
0x5f: {  	_ =	shalt  }
0x60: {  	_ =	shalt  }
0x61: {  	_ =	shalt  }
0x62: {  	_ =	shalt  }
0x63: {  	_ =	shalt  }
0x64: {  	_ =	shalt  }
0x65: {  	_ =	shalt  }
0x66: {  	_ =	shalt  }
0x67: {  	_ =	shalt  }
0x68: {  	_ =	shalt  }
0x69: {  	_ =	shalt  }
0x6a: {  	_ =	shalt  }
0x6b: {  	_ =	shalt  }
0x6c: {  	_ =	shalt  }
0x6d: {  	_ =	shalt  }
0x6e: {  	_ =	shalt  }
0x6f: {  	_ =	shalt  }
0x70: {  	_ =	shalt  }
0x71: {  	_ =	shalt  }
0x72: {  	_ =	shalt  }
0x73: {  	_ =	shalt  }
0x74: {  	_ =	shalt  }
0x75: {  	_ =	shalt  }
0x76: {  	_ =	shalt  }
0x77: {  	_ =	shalt  }
0x78: {  	_ =	shalt  }
0x79: {  	_ =	shalt  }
0x7a: {  	_ =	shalt  }
0x7b: {  	_ =	shalt  }
0x7c: {  	_ =	shalt  }
0x7d: {  	_ =	shalt  }
0x7e: {  	_ =	shalt  }
0x7f: {  	_ =	shalt  }
0x80: {  	_ =	shalt  }
0x81: {  	_ =	shalt  }
0x82: {  	_ =	shalt  }
0x83: {  	_ =	shalt  }
0x84: {  	_ =	shalt  }
0x85: {  	_ =	shalt  }
0x86: {  	_ =	shalt  }
0x87: {  	_ =	shalt  }
.Lfunc_end0:
.L_simem_size_0:
called_computation.1_lowered:
.L_overlay_start_0:
0x88: {  	s2 =	sld [smem:$0x3FD9]  }
0x89: {  	s3 =	sld [smem:$0x3FFE];
	_ =	sdelay $0x1  }
0x8a: {  	s1 =	srdreg.scid  }
0x8b: {  	s0 =	sand.u32 $0x1, s1  }
0x8c: {  	s14 =	sshll.u32 s0, $0xA;
	s2 =	sadd.s32 s3, s2  }
0x8d: {  	s2 =	sadd.s32 s2, s14  }
0x8e: {  	[smem:$0x3FBC] =	sst s2  }
0x8f: {  	_ = 	snop  }
0x90: {  	s2 =	sld [smem:$0x3FD0];
	_ =	sdelay $0x2  }
0x91: {  	s15 =	simm.s32 $0xA;
	s4 =	simm.s32 $0x10  }
0x92: {  	[smem:s4], [sflag:s15] =	dma.local [hbm:s2], $0x1  }
0x93: {  	_ =	swait.eq [sflag:s15], $0x1  }
0x94: {  	[sflag:s15] =	ssyncset.done $0x0  }
0x95: {  	s16 =	sld [smem:$0x10];
	[sflag:s15] =	ssyncadd.s32 $0xFFFFFFFF  }
0x96: {  	s17 =	sld [smem:$0x11];
	(tm) =	ssettm $0x1  }
0x97: {  	s18 =	sld [smem:$0x3FFB];
	_ =	sdelay $0x3  }
0x98: {  	_ =	strace s18  }
0x99: {  	s4 =	sld [smem:$0x3FFC];
	_ =	sdelay $0x3  }
0x9a: {  	_ =	strace s4  }
0x9b: {  	s4 =	sld [smem:$0x3FFD];
	_ =	sdelay $0x3  }
0x9c: {  	_ =	strace s4  }
0x9d: {  	_ =	strace $0x8FFFFFFF  }
0x9e: {  	s19 =	sld [smem:$0x3FDB];
	_ =	sdelay $0x1  }
0x9f: {  	s5 =	simm.s32 $_scs_section_size  }
0xa0: {  	s6 =	simm.s32 $_size__tile_overlayer_lowered;
	s7 =	simm.s32 $_tile_overlayer_lowered  }
0xa1: {  	s22 =	simm.s32 $0x1BFF;
	s21 =	sshll.u32 s7, $0x1;
	s4 =	sadd.s32 s5, s19  }
0xa2: {  	s8 =	simm.s32 $0x0;
	s20 =	sshll.u32 s6, $0x1;
	s6 =	sadd.s32 s21, s4  }
0xa3: {  	[timem:s8], [sflag:s22] =	dma.local [hbm:s6], s20  }
0xa4: {  	_ =	swait.ge [sflag:s22], s20  }
0xa5: {  	s5 =	ssub.s32 $0x0, s20;
	[sflag:s22] =	ssyncset.done $0x0  }
0xa6: {  	[sflag:s22] =	ssyncadd.s32 s5;
	_ =	sdelay $0x1  }
0xa7: {  	s23 =	simm.s32 $0x1B8B  }
0xa8: {  	_ =	swait.ge [sflag:s23], $0x1  }
0xa9: {  	[sflag:s23] =	ssyncset.done $0x0  }
0xaa: {  	s25 =	simm.s32 $0x1B8E;
	s24 =	sld [smem:$0x3FFE];
	[sflag:s23] =	ssyncadd.s32 $0xFFFFFFFF  }
0xab: {  	s26 =	simm.s32 $execute0_lowered;
	[smem:$0x3FD2] =	sst s25  }
0xac: {  	s6 =	sshll.u32 s26, $0x1;
	_ =	strace $0x80000049;
	[dreg:$0x1] =	wrdreg $0xFFFFFFFF  }
0xad: {  	s28 =	simm.s32 $_size_execute0_lowered;
	s4 =	sadd.s32 s4, s6;
	[dreg:$0x0] =	wrdreg $0x0  }
0xae: {  	s6 =	sshll.u32 s28, $0x1;
	[dreg:$0x2] =	wrdreg s4  }
0xaf: {  	[dreg:$0x3] =	wrdreg s6  }
0xb0: {  	[dreg:$0x4] =	wrdreg $0xC0  }
0xb1: {  	_ =	task [dreg:s8], $0x5FFFF  }
0xb2: {  	[dreg:$0x1] =	wrdreg $0xFFFFFFFF  }
0xb3: {  	[dreg:$0x0] =	wrdreg $0x60  }
0xb4: {  	[dreg:$0x2] =	wrdreg s24  }
0xb5: {  	[dreg:$0x3] =	wrdreg s16  }
0xb6: {  	[dreg:$0x4] =	wrdreg s17  }
0xb7: {  	[dreg:$0x5] =	wrdreg $0x0  }
0xb8: {  	[dreg:$0x6] =	wrdreg $0x9  }
0xb9: {  	_ =	task.clear_ibuf [dreg:s8], $0x7FFFF;
	_ =	strace $0x90000049  }
0xba: {  	s29 =	simm.s32 $0x9;
	_ =	strace $0x8000004B  }
0xbb: {  	_ =	swait.ge [sflag:s29], $0x1  }
0xbc: {  	[sflag:s29] =	ssyncadd.s32 $0xFFFFFFFF  }
0xbd: {  	_ =	strace $0x9000004B  }
0xbe: {  	_ =	sfence  }
0xbf: {  	s30 =	sld [smem:$0x0];
	_ =	sdelay $0x2  }
0xc0: {  	s31 =	sshll.u32 s1, $0xD;
	s1 =	sshrl.u32 s1, $0x2  }
0xc1: {  	s3 =	sand.u32 $0x4000, s31;
	s1 =	sadd.s32 s1, s30  }
0xc2: {  	s0 =	sor.u32 s3, s0;
	s1 =	sshll.u32 s1, $0x11  }
0xc3: {  	s0 =	sor.u32 s1, s0  }
0xc4: {  	s0 =	sadd.s32 $0x8F2B, s0  }
0xc5: {  	[sflag:s0] =	ssyncadd.remote.s32 $0x1  }
0xc6: {  	_ =	sfence.sel $0xFFFF  }
0xc7: {  	[dreg:$0x0] =	wrdreg $0xFFFFFFFF;
	(pc) =	sbr.abs _section_cstart, $3  }
0xc8: {  	[dreg:$0x1] =	wrdreg $0xFFFFFFFF  }
0xc9: {  	_ =	task.clear_ibuf [dreg:s8], $0x2FFFF;
	_ =	strace $0x9FFFFFFF  }
0xca: {  	(tm) =	ssettm $0x7FFFFFFF  }
0xcb: {  	_ =	shalt  }
tec
execute0_lowered:
.L_overlay_start_1:
0x0: {  	(tag) =	ssettag $0x1  }
0x1: {  	s11 =	rddreg [dreg:$0x0]  }
0x2: {  	s4 =	rddreg [dreg:$0x1]  }
0x3: {  	s16 =	rddreg [dreg:$0x2]  }
0x4: {  	s2 =	rddreg [dreg:$0x3]  }
0x5: {  	s0 =	rddreg [dreg:$0x4]  }
0x6: {  	s5 =	srdreg.scid;
	s3 =	simm.s32 $0x0;
	s1 =	stileid.u32  }
0x7: {  	s17 =	sand.u32 $0x1, s5;
	[smem:$0x7FF] =	sst s3;
	s6 =	smul.u32 $0x3E8, s1  }
0x8: {  	p0 =	sgt.u32 s1, $0x9;
	s5 =	sshll.u32 s17, $0x4;
	_ =	strace $0x8000004A  }
0x9: {  	s7 =	simm.s32 @!p0 $0x1;
	s5 =	sor.u32 s1, s5;
	s30 =	sshrl.u32 s6, $0x3  }
0xa: {  	s6 =	sadd.s32 s6, s2;
	s18 =	smul.u32 $0x4E2, s5;
	s5 =	sshll.u32 @!p0 s1, $0x6  }
0xb: {  	s4 =	sadd.s32 s4, s30;
	s6 =	sshrl.u32 @!p0 s6, $0x3;
	s5 =	sor.u32 @!p0 $0x1C01, s5  }
0xc: {  	[spmem:s6], [sflag:s5] =	dma.local @!p0 [hbm:s4], $0x7D  }
0xd: {  	_ =	swait.ge @!p0 [sflag:s7], $0x7D  }
0xe: {  	s10 =	simm.s32 $0x278;
	s19 =	sadd.s32 s18, s11;
	[sflag:s7] =	ssyncset.done @!p0 $0x0  }
0xf: {  	s9 =	simm.s32 $0x1;
	s8 =	sadd.s32 $0x2A800, s19;
	[sflag:s7] =	ssyncadd.s32 @!p0 $0xFFFFFF83  }
0x10: {  	[tilespmem:s10], [sflag:$0x1] =	stream.linear.gather [hbm4b:s8+s3], $0x2710, $0x38;
	[tilespmem:$0x9EB8] =	vst v63  }
0x11: {  	_ =	swait.ge [sflag:s9], $0x2710  }
0x12: {  	s11 =	sadd.s32 $0x34440, s11;
	[sflag:s9] =	ssyncset.done $0x0  }
0x13: {  	s12 =	simm.s32 $0x2988;
	s11 =	sadd.s32 s18, s11;
	[sflag:s9] =	ssyncadd.s32 $0xFFFFD8F0  }
0x14: {  	[tilespmem:s12], [sflag:$0x1] =	stream.linear.gather [hbm4b:s11+s3], $0x2710, $0x38;
	[tilespmem:$0x9EB8] =	vst v63  }
0x15: {  	_ =	swait.ge [sflag:s9], $0x2710  }
0x16: {  	[sflag:s9] =	ssyncset.done $0x0  }
0x17: {  	[sflag:s9] =	ssyncadd.s32 $0xFFFFD8F0  }
0x18: {  	s13 =	simm.s32 $0x2710;
	s14 =	simm.s32 $0x5098;
	[bflag:$0x0] =	sbarrier.arrive $0xFFFF  }
0x19: {  	[tilespmem:s14], [sflag:$0x1] =	stream.indirect.gather [spmem:s2], $0x1, s10, s13, $0xb8;
	[tilespmem:$0x9EB8] =	vst v63  }
0x1a: {  	_ =	swait.ge [sflag:s9], $0x2710  }
0x1b: {  	s17 =	ssub.s32 $0x2, s17;
	[sflag:s9] =	ssyncset.done $0x0  }
0x1c: {  	s15 =	simm.s32 $0x77A8;
	s31 =	sshrl.u32 s17, $0x1;
	[sflag:s9] =	ssyncadd.s32 $0xFFFFD8F0  }
0x1d: {  	[tilespmem:s15], [sflag:$0x1] =	stream.indirect.gather [spmem:s2], $0x1, s12, s13, $0xb8;
	[tilespmem:$0x9EB8] =	vst v63  }
0x1e: {  	s17 =	ssub.s32 s17, s31;
	_ =	swait.ge [sflag:s9], $0x2710  }
0x1f: {  	s16 =	sadd.s32 s16, s18;
	s18 =	smax.u32 s17, $0x1;
	[sflag:s9] =	ssyncset.done $0x0  }
0x20: {  	s18 =	sadd.s32 $0xFFFFFFFF, s18;
	[sflag:s9] =	ssyncadd.s32 $0xFFFFD8F0  }
0x21: {  	[hbm4b:s16+s3] =	stream.linear.scatter [tilespmem:s14], [sflag:$0x1], $0x2710, $0x38;
	[tilespmem:$0x9EB8] =	vst v63  }
0x22: {  	p1 =	sne.s32 s18, $0x0;
	_ =	swait.ge [sflag:s9], $0x2710  }
.Ltmp0:
0x23: {  	[sflag:s9] =	ssyncset.done $0x0;
	(pc) =	sbr.rel @!p1 .LBB2_2-.Ltmp0, $4  }
0x24: {  	s17 =	sadd.s32 $0x3600, s19;
	[sflag:s9] =	ssyncadd.s32 $0xFFFFD8F0  }
0x25: {  	[hbm4b:s17+s3] =	stream.linear.scatter [tilespmem:s15], [sflag:$0x1], $0x2710, $0x38;
	[tilespmem:$0x9EB8] =	vst v63  }
0x26: {  	_ =	swait.ge [sflag:s9], $0x2710  }
0x27: {  	[sflag:s9] =	ssyncset.done $0x0  }
.LBB2_1:
0x28: {  	s18 =	sadd.s32 $0xFFFFFFFF, s18;
	[sflag:s9] =	ssyncadd.s32 $0xFFFFD8F0  }
0x29: {  	[spmem:s6], [sflag:s5] =	dma.local @!p0 [hbm:s4], $0x7D  }
0x2a: {  	p1 =	sne.s32 s18, $0x0;
	_ =	swait.ge @!p0 [sflag:s7], $0x7D  }
0x2b: {  	[sflag:s7] =	ssyncset.done @!p0 $0x0  }
0x2c: {  	[sflag:s7] =	ssyncadd.s32 @!p0 $0xFFFFFF83  }
0x2d: {  	[tilespmem:s10], [sflag:$0x1] =	stream.linear.gather [hbm4b:s8+s3], $0x2710, $0x38;
	[tilespmem:$0x9EB8] =	vst v63  }
0x2e: {  	_ =	swait.ge [sflag:s9], $0x2710  }
0x2f: {  	[sflag:s9] =	ssyncset.done $0x0  }
0x30: {  	[sflag:s9] =	ssyncadd.s32 $0xFFFFD8F0  }
0x31: {  	[tilespmem:s12], [sflag:$0x1] =	stream.linear.gather [hbm4b:s11+s3], $0x2710, $0x38;
	[tilespmem:$0x9EB8] =	vst v63  }
0x32: {  	_ =	swait.ge [sflag:s9], $0x2710  }
0x33: {  	[sflag:s9] =	ssyncset.done $0x0  }
0x34: {  	[sflag:s9] =	ssyncadd.s32 $0xFFFFD8F0  }
0x35: {  	[bflag:$0x0] =	sbarrier.arrive $0xFFFF  }
0x36: {  	[tilespmem:s14], [sflag:$0x1] =	stream.indirect.gather [spmem:s2], $0x1, s10, s13, $0xb8;
	[tilespmem:$0x9EB8] =	vst v63  }
0x37: {  	_ =	swait.ge [sflag:s9], $0x2710  }
0x38: {  	[sflag:s9] =	ssyncset.done $0x0  }
0x39: {  	[sflag:s9] =	ssyncadd.s32 $0xFFFFD8F0  }
0x3a: {  	[tilespmem:s15], [sflag:$0x1] =	stream.indirect.gather [spmem:s2], $0x1, s12, s13, $0xb8;
	[tilespmem:$0x9EB8] =	vst v63  }
0x3b: {  	_ =	swait.ge [sflag:s9], $0x2710  }
0x3c: {  	[sflag:s9] =	ssyncset.done $0x0  }
0x3d: {  	[sflag:s9] =	ssyncadd.s32 $0xFFFFD8F0  }
0x3e: {  	[hbm4b:s16+s3] =	stream.linear.scatter [tilespmem:s14], [sflag:$0x1], $0x2710, $0x38;
	[tilespmem:$0x9EB8] =	vst v63  }
0x3f: {  	_ =	swait.ge [sflag:s9], $0x2710  }
.Ltmp1:
0x40: {  	[sflag:s9] =	ssyncset.done $0x0;
	(pc) =	sbr.rel @p1 .LBB2_1-.Ltmp1, $4  }
0x41: {  	[sflag:s9] =	ssyncadd.s32 $0xFFFFD8F0  }
0x42: {  	[hbm4b:s17+s3] =	stream.linear.scatter [tilespmem:s15], [sflag:$0x1], $0x2710, $0x38;
	[tilespmem:$0x9EB8] =	vst v63  }
0x43: {  	_ =	swait.ge [sflag:s9], $0x2710  }
0x44: {  	[sflag:s9] =	ssyncset.done $0x0  }
.LBB2_2:
0x45: {  	[sflag:s9] =	ssyncadd.s32 $0xFFFFD8F0  }
0x46: {  	_ =	sfence.sel $0x180000  }
0x47: {  	[bflag:$0x0] =	sbarrier.arrive $0xFFFF  }
0x48: {  	p0 =	sne.s32 s1, $0x0;
	_ =	strace $0x9000004A  }
0x49: {  	s0 =	sadd.s32 @!p0 $0x100000, s0;
	[bflag:$0x2] =	sbarrier.arrive $0xFFFF  }
0x4a: {  	[sflag:s0] =	ssyncadd.tile.s32 @!p0 $0x1;
	_ =	shalt  }
.Lfunc_end2:
_tile_overlayer_lowered:
.L_overlay_start_2:
0x4b: {  	(tag) =	ssettag $0x2  }
0x4c: {  	s0 =	rddreg [dreg:$0x0];
	s2 =	stileid.u32  }
0x4d: {  	s1 =	rddreg [dreg:$0x1];
	p0 =	sne.s32 s2, $0x0  }
0x4e: {  	s3 =	rddreg [dreg:$0x2];
	[bflag:$0x3] =	sbarrier.arrive $0xFFFF;
	s2 =	simm.s32 @!p0 $0x1C01  }
0x4f: {  	[timem:s3], [sflag:s2] =	dma.local @!p0 [hbm:s0], s1  }
0x50: {  	s0 =	simm.s32 @!p0 $0x1  }
0x51: {  	_ =	swait.ge @!p0 [sflag:s0], s1  }
0x52: {  	s1 =	ssub.s32 @!p0 $0x0, s1;
	[sflag:s0] =	ssyncset.done @!p0 $0x0  }
0x53: {  	[sflag:s0] =	ssyncadd.s32 @!p0 s1  }
0x54: {  	[bflag:$0x3] =	sbarrier.arrive $0xFFFF  }
0x55: {  	_ =	shalt  }

</sc_bundles>
